<compile_context>
chip_gen: v7x
topology: tpu7x:2x2x1
jax: 0.10.2.dev20260603
libtpu: 0.0.44.dev20260713+nightly
codegen_flags: <defaults>
</compile_context>

<pallas_src>
import jax
import jax.numpy as jnp
from jax import lax
from jax.experimental import pallas as pl
from jax.experimental.pallas import tpu as pltpu
from jax.experimental.pallas import tpu_sc as plsc

N = 10000
E = 320000
D = 128

NC = 2
NS = 16
NW = NC * NS
EPW = E // NW
CH = 80
NCHUNK = EPW // CH
RPT = 624
TAIL = N - NS * RPT
ACC_ROWS = 10240
ZPT = ACC_ROWS // NS
DEGW = 128


def _sc_mesh():
    return plsc.VectorSubcoreMesh(
        core_axis_name="c", subcore_axis_name="s", num_cores=NC,
        num_subcores=NS)


def _prep_edges(edge_index):
    src = edge_index[0].astype(jnp.int32).reshape(NW, EPW)
    dst = edge_index[1].astype(jnp.int32).reshape(NW, NCHUNK, CH)
    return src, dst


def _zero_acc(zer_hbm, buf_v, acc_sh, s):
    pltpu.sync_copy(zer_hbm, buf_v)

    def zero_k(k, _):
        pltpu.sync_copy(buf_v, acc_sh.at[pl.ds(s * ZPT + k * CH, CH)])
        return _
    lax.fori_loop(0, ZPT // CH, zero_k, None)
    plsc.subcore_barrier()


def _acc_out(acc_sh, out_hbm, c, s):
    plsc.subcore_barrier()
    pltpu.sync_copy(acc_sh.at[pl.ds(s * RPT, RPT)],
                    out_hbm.at[c].at[pl.ds(s * RPT, RPT)])

    @pl.when(s == NS - 1)
    def _tail():
        pltpu.sync_copy(acc_sh.at[pl.ds(NS * RPT, TAIL)],
                        out_hbm.at[c].at[pl.ds(NS * RPT, TAIL)])


def _deg_body(dst_hbm, ones_hbm, zer_hbm, out_hbm, didx_v, ones_v, dacc_sh,
              sem0, sem1):
    c = lax.axis_index("c")
    s = lax.axis_index("s")
    w = s * NC + c
    pltpu.sync_copy(dst_hbm.at[w], didx_v)
    _zero_acc(zer_hbm, ones_v, dacc_sh, s)
    pltpu.sync_copy(ones_hbm, ones_v)

    def scat(j, sem):
        return pltpu.async_copy(ones_v, dacc_sh.at[didx_v.at[j]], sem,
                                add=True)

    def swait(j, sem):
        pltpu.make_async_copy(ones_v, dacc_sh.at[didx_v.at[j]], sem).wait()

    scat(0, sem0)
    scat(1, sem1)

    def body(i, _):
        j0 = 2 * i
        swait(j0, sem0)
        scat(j0 + 2, sem0)
        swait(j0 + 1, sem1)
        scat(j0 + 3, sem1)
        return _
    lax.fori_loop(0, (NCHUNK - 1) // 2 - 1, body, None)
    swait(NCHUNK - 3, sem0)
    scat(NCHUNK - 1, sem0)
    swait(NCHUNK - 2, sem1)
    swait(NCHUNK - 1, sem0)

    _acc_out(dacc_sh, out_hbm, c, s)


def _deg(dst_r, ones128, zer128):
    k = pl.kernel(
        _deg_body,
        out_type=jax.ShapeDtypeStruct((NC, N, DEGW), jnp.float32),
        mesh=_sc_mesh(),
        scratch_types=[
            pltpu.VMEM((NCHUNK, CH), jnp.int32),
            pltpu.VMEM((CH, DEGW), jnp.float32),
            pltpu.VMEM_SHARED((ACC_ROWS, DEGW), jnp.float32),
            pltpu.SemaphoreType.DMA,
            pltpu.SemaphoreType.DMA,
        ],
    )
    return k(dst_r, ones128, zer128)


def _scat_body(h_hbm, src_hbm, dst_hbm, zer_hbm, out_hbm, sidx_v, didx_v,
               rows0_v, rows1_v, acc_sh, semg0, semg1):
    c = lax.axis_index("c")
    s = lax.axis_index("s")
    w = s * NC + c
    pltpu.sync_copy(src_hbm.at[w], sidx_v)
    pltpu.sync_copy(dst_hbm.at[w], didx_v)
    _zero_acc(zer_hbm, rows0_v, acc_sh, s)

    def gath(j, buf, sem):
        pltpu.async_copy(h_hbm.at[sidx_v.at[pl.ds(j * CH, CH)]], buf, sem)

    def gwait(j, buf, sem):
        pltpu.make_async_copy(h_hbm.at[sidx_v.at[pl.ds(j * CH, CH)]], buf,
                              sem).wait()

    def scat(j, buf):
        pltpu.sync_copy(buf, acc_sh.at[didx_v.at[j]], add=True)

    gath(0, rows0_v, semg0)

    def body(i, _):
        j0 = 2 * i
        gwait(j0, rows0_v, semg0)
        gath(j0 + 1, rows1_v, semg1)
        scat(j0, rows0_v)
        gwait(j0 + 1, rows1_v, semg1)
        gath(j0 + 2, rows0_v, semg0)
        scat(j0 + 1, rows1_v)
        return _
    lax.fori_loop(0, (NCHUNK - 1) // 2, body, None)
    gwait(NCHUNK - 1, rows0_v, semg0)
    scat(NCHUNK - 1, rows0_v)

    _acc_out(acc_sh, out_hbm, c, s)


def _scatter(h, src_r, dst_r, zer128):
    k = pl.kernel(
        _scat_body,
        out_type=jax.ShapeDtypeStruct((NC, N, D), jnp.float32),
        mesh=_sc_mesh(),
        scratch_types=[
            pltpu.VMEM((EPW,), jnp.int32),
            pltpu.VMEM((NCHUNK, CH), jnp.int32),
            pltpu.VMEM((CH, D), jnp.float32),
            pltpu.VMEM((CH, D), jnp.float32),
            pltpu.VMEM_SHARED((ACC_ROWS, D), jnp.float32),
            pltpu.SemaphoreType.DMA,
            pltpu.SemaphoreType.DMA,
        ],
    )
    return k(h, src_r, dst_r, zer128)


_BM = 1000


def _dis(dref):
    deg = dref[0, :, 0:1] + dref[1, :, 0:1] + 1.0
    return lax.rsqrt(deg)


def _tc1_body(x_ref, w_ref, d_ref, o_ref, dis_ref):
    dis = _dis(d_ref)
    dis_ref[...] = jnp.broadcast_to(dis, dis_ref.shape)
    o_ref[...] = jnp.dot(x_ref[...], w_ref[...],
                         preferred_element_type=jnp.float32) * dis


def _tc_mid_body(p_ref, h_ref, d_ref, b_ref, w_ref, o_ref):
    dis = d_ref[:, 0:1]
    t = (p_ref[0] + p_ref[1] + h_ref[...]) * dis + b_ref[...]
    t = jnp.maximum(t, 0.0)
    o_ref[...] = jnp.dot(t, w_ref[...],
                         preferred_element_type=jnp.float32) * dis


def _tc_fin_body(p_ref, h_ref, d_ref, b_ref, o_ref):
    o_ref[...] = ((p_ref[0] + p_ref[1] + h_ref[...]) * d_ref[:, 0:1]
                  + b_ref[...])


def _row_specs():
    return dict(
        p=pl.BlockSpec((NC, _BM, D), lambda i: (0, i, 0)),
        h=pl.BlockSpec((_BM, D), lambda i: (i, 0)),
        d=pl.BlockSpec((NC, _BM, DEGW), lambda i: (0, i, 0)),
        d8=pl.BlockSpec((_BM, 8), lambda i: (i, 0)),
        b=pl.BlockSpec((1, D), lambda i: (0, 0)),
        w=pl.BlockSpec((D, D), lambda i: (0, 0)),
    )


def _tc1(x, w1t, degp):
    sp = _row_specs()
    return pl.pallas_call(
        _tc1_body,
        grid=(N // _BM,),
        in_specs=[sp["h"], sp["w"], sp["d"]],
        out_specs=(sp["h"], sp["d8"]),
        out_shape=(jax.ShapeDtypeStruct((N, D), jnp.float32),
                   jax.ShapeDtypeStruct((N, 8), jnp.float32)),
    )(x, w1t, degp)


def _tc_mid(part, h1p, dis8, b1, w2t):
    sp = _row_specs()
    return pl.pallas_call(
        _tc_mid_body,
        grid=(N // _BM,),
        in_specs=[sp["p"], sp["h"], sp["d8"], sp["b"], sp["w"]],
        out_specs=sp["h"],
        out_shape=jax.ShapeDtypeStruct((N, D), jnp.float32),
    )(part, h1p, dis8, b1, w2t)


def _tc_fin(part, h2p, dis8, b2):
    sp = _row_specs()
    return pl.pallas_call(
        _tc_fin_body,
        grid=(N // _BM,),
        in_specs=[sp["p"], sp["h"], sp["d8"], sp["b"]],
        out_specs=sp["h"],
        out_shape=jax.ShapeDtypeStruct((N, D), jnp.float32),
    )(part, h2p, dis8, b2)


def kernel(x, edge_index, W1, b1, W2, b2):
    src_r, dst_r = _prep_edges(edge_index)
    ones128 = jnp.ones((CH, DEGW), jnp.float32)
    zer128 = jnp.zeros((CH, D), jnp.float32)

    degp = _deg(dst_r, ones128, zer128)
    h1p, dis8 = _tc1(x, W1.T, degp)
    part1 = _scatter(h1p, src_r, dst_r, zer128)
    h2p = _tc_mid(part1, h1p, dis8, b1.reshape(1, D), W2.T)
    part2 = _scatter(h2p, src_r, dst_r, zer128)
    return _tc_fin(part2, h2p, dis8, b2.reshape(1, D))

# --- scband reference (transcript-rebuilt; emitter-appended) ---
"""Pipeline reference for scband-gcnencoder-11982958756635 (READ-ONLY COPY).

The authoritative reference and input builder live on the scoring server;
editing this copy changes nothing except your own understanding.
"""

import jax, jax.numpy as jnp
import numpy as np

N_NODES = 10000
N_EDGES = 320000
D_IN = 128
D_HID = 128
D_OUT = 128


def setup_inputs(seed: int = 0) -> dict:
    key = jax.random.key(seed)
    k1, k2, k3, k4, k5, k6 = jax.random.split(key, 6)
    x = jax.random.normal(k1, (N_NODES, D_IN), dtype=jnp.float32)
    edge_index = jax.random.randint(k2, (2, N_EDGES), 0, N_NODES, dtype=jnp.int64)
    # GCNConv layer 1: linear weight [hidden, in] (PyG lin has no bias), layer bias [hidden]
    W1 = jax.random.normal(k3, (D_HID, D_IN), dtype=jnp.float32) * (1.0 / np.sqrt(D_IN))
    b1 = jnp.zeros((D_HID,), dtype=jnp.float32)
    # GCNConv layer 2
    W2 = jax.random.normal(k4, (D_OUT, D_HID), dtype=jnp.float32) * (1.0 / np.sqrt(D_HID))
    b2 = jnp.zeros((D_OUT,), dtype=jnp.float32)
    return {"x": x, "edge_index": edge_index, "W1": W1, "b1": b1, "W2": W2, "b2": b2}


def _gcn_conv(x, edge_index, W, b):
    # Faithful GCNConv: add self-loops, symmetric normalization, scatter-add aggregation
    N = x.shape[0]
    loop = jnp.arange(N, dtype=edge_index.dtype)
    src = jnp.concatenate([edge_index[0], loop])
    dst = jnp.concatenate([edge_index[1], loop])
    h = x @ W.T  # linear transform (no bias in lin)
    deg = jnp.zeros((N,), dtype=h.dtype).at[dst].add(1.0)
    deg_inv_sqrt = jnp.where(deg > 0, deg ** -0.5, 0.0)
    norm = deg_inv_sqrt[src] * deg_inv_sqrt[dst]
    msgs = h[src] * norm[:, None]
    out = jax.ops.segment_sum(msgs, dst, num_segments=N)
    return out + b


def reference(x, edge_index, W1, b1, W2, b2):
    h = _gcn_conv(x, edge_index, W1, b1)
    h = jax.nn.relu(h)
    out = _gcn_conv(h, edge_index, W2, b2)
    return out

if __name__ == "__main__":
    import jax
    _d = setup_inputs()
    print(jax.jit(kernel)(*tuple(_d.values())))

</pallas_src>

<mosaic_0001>
#map = affine_map<(d0, d1) -> (0, 0, 0)>
#map1 = affine_map<(d0, d1) -> (0, 0)>
module attributes {stable_mosaic.version = 14 : i64} {
  func.func @_deg_body(%arg0: i32, %arg1: i32, %arg2: memref<32x125x80xi32, #tpu.memory_space<hbm>>, %arg3: memref<80x128xf32, #tpu.memory_space<hbm>>, %arg4: memref<80x128xf32, #tpu.memory_space<hbm>>, %arg5: memref<2x10000x128xf32, #tpu.memory_space<hbm>>, %arg6: memref<125x80xi32, #tpu.memory_space<vmem>>, %arg7: memref<80x128xf32, #tpu.memory_space<vmem>>, %arg8: memref<10240x128xf32, #tpu.memory_space<vmem_shared>>, %arg9: memref<!tpu.dma_semaphore, #tpu.memory_space<semaphore_mem>>, %arg10: memref<!tpu.dma_semaphore, #tpu.memory_space<semaphore_mem>>) attributes {dimension_semantics = [#tpu.dimension_semantics<core_parallel>, #tpu.dimension_semantics<subcore_parallel>], iteration_bounds = array<i64: 2, 16>, scalar_prefetch = 0 : i64, scratch_operands = 5 : i64, tpu.core_type = #tpu.core_type<sc_vector_subcore>, window_params = [{transform_indices = #map}, {transform_indices = #map1}, {transform_indices = #map1}, {transform_indices = #map}]} {
    %mul3A = arith.constant 2 : i32
    %mul3A_0 = arith.muli %arg1, %mul3A : i32
    %add3A = arith.addi %mul3A_0, %arg0 : i32
    "tpu.region"() ({
      %run_scoped3A = tpu.sem_alloc : memref<!tpu.dma_semaphore, #tpu.memory_space<semaphore_mem>>
      %dma_start3A_57 = arith.constant 0 : i32
      %dma_start3A_58 = arith.constant 0 : i32
      %dma_start3A_59 = tpu.memref_slice %arg2[%add3A, %dma_start3A_57, %dma_start3A_58] : memref<32x125x80xi32, #tpu.memory_space<hbm>> -> memref<1x125x80xi32, #tpu.memory_space<hbm>>
      %dma_start3A_60 = tpu.memref_squeeze %dma_start3A_59 : memref<1x125x80xi32, #tpu.memory_space<hbm>> -> memref<125x80xi32, #tpu.memory_space<hbm>>
      %dma_start3A_61 = arith.constant 0 : i32
      %dma_start3A_62 = arith.constant 0 : i32
      %dma_start3A_63 = tpu.memref_slice %arg2[%add3A, %dma_start3A_61, %dma_start3A_62] : memref<32x125x80xi32, #tpu.memory_space<hbm>> -> memref<1x125x80xi32, #tpu.memory_space<hbm>>
      %dma_start3A_64 = tpu.memref_squeeze %dma_start3A_63 : memref<1x125x80xi32, #tpu.memory_space<hbm>> -> memref<125x80xi32, #tpu.memory_space<hbm>>
      tpu.enqueue_dma source(%dma_start3A_64 : memref<125x80xi32, #tpu.memory_space<hbm>>) target(%arg6 : memref<125x80xi32, #tpu.memory_space<vmem>>) target_semaphore(%run_scoped3A : memref<!tpu.dma_semaphore, #tpu.memory_space<semaphore_mem>>)
      %dma_wait3A_65 = arith.constant 0 : i32
      %dma_wait3A_66 = arith.constant 0 : i32
      %dma_wait3A_67 = tpu.memref_slice %arg2[%add3A, %dma_wait3A_65, %dma_wait3A_66] : memref<32x125x80xi32, #tpu.memory_space<hbm>> -> memref<1x125x80xi32, #tpu.memory_space<hbm>>
      %dma_wait3A_68 = tpu.memref_squeeze %dma_wait3A_67 : memref<1x125x80xi32, #tpu.memory_space<hbm>> -> memref<125x80xi32, #tpu.memory_space<hbm>>
      %dma_wait3A_69 = arith.constant 0 : i32
      %dma_wait3A_70 = arith.constant 0 : i32
      %dma_wait3A_71 = tpu.memref_slice %arg2[%add3A, %dma_wait3A_69, %dma_wait3A_70] : memref<32x125x80xi32, #tpu.memory_space<hbm>> -> memref<1x125x80xi32, #tpu.memory_space<hbm>>
      %dma_wait3A_72 = tpu.memref_squeeze %dma_wait3A_71 : memref<1x125x80xi32, #tpu.memory_space<hbm>> -> memref<125x80xi32, #tpu.memory_space<hbm>>
      tpu.wait_dma2 semaphore(%run_scoped3A : memref<!tpu.dma_semaphore, #tpu.memory_space<semaphore_mem>>) src(%dma_wait3A_72 : memref<125x80xi32, #tpu.memory_space<hbm>>) dst(%arg6 : memref<125x80xi32, #tpu.memory_space<vmem>>)
      tpu.yield
    }) : () -> ()
    "tpu.region"() ({
      %run_scoped3A = tpu.sem_alloc : memref<!tpu.dma_semaphore, #tpu.memory_space<semaphore_mem>>
      tpu.enqueue_dma source(%arg4 : memref<80x128xf32, #tpu.memory_space<hbm>>) target(%arg7 : memref<80x128xf32, #tpu.memory_space<vmem>>) target_semaphore(%run_scoped3A : memref<!tpu.dma_semaphore, #tpu.memory_space<semaphore_mem>>)
      tpu.wait_dma2 semaphore(%run_scoped3A : memref<!tpu.dma_semaphore, #tpu.memory_space<semaphore_mem>>) src(%arg4 : memref<80x128xf32, #tpu.memory_space<hbm>>) dst(%arg7 : memref<80x128xf32, #tpu.memory_space<vmem>>)
      tpu.yield
    }) : () -> ()
    %scan3A = arith.constant 0 : i32
    %scan3A_1 = arith.constant 8 : i32
    %scan3A_2 = arith.addi %scan3A, %scan3A_1 : i32
    %scan3A_3 = arith.constant 1 : i32
    scf.for %scan3A_57 = %scan3A to %scan3A_2 step %scan3A_3  : i32 {
      %mul3A_58 = arith.constant 640 : i32
      %mul3A_59 = arith.muli %arg1, %mul3A_58 : i32
      %mul3A_60 = arith.constant 80 : i32
      %mul3A_61 = arith.muli %scan3A_57, %mul3A_60 : i32
      %add3A_62 = arith.addi %mul3A_59, %mul3A_61 : i32
      "tpu.region"() ({
        %run_scoped3A = tpu.sem_alloc : memref<!tpu.dma_semaphore, #tpu.memory_space<semaphore_mem>>
        %dma_start3A_63 = arith.constant 0 : i32
        %dma_start3A_64 = tpu.memref_slice %arg8[%add3A_62, %dma_start3A_63] : memref<10240x128xf32, #tpu.memory_space<vmem_shared>> -> memref<80x128xf32, #tpu.memory_space<vmem_shared>>
        %dma_start3A_65 = arith.constant 0 : i32
        %dma_start3A_66 = tpu.memref_slice %arg8[%add3A_62, %dma_start3A_65] : memref<10240x128xf32, #tpu.memory_space<vmem_shared>> -> memref<80x128xf32, #tpu.memory_space<vmem_shared>>
        tpu.enqueue_dma source(%arg7 : memref<80x128xf32, #tpu.memory_space<vmem>>) target(%dma_start3A_66 : memref<80x128xf32, #tpu.memory_space<vmem_shared>>) target_semaphore(%run_scoped3A : memref<!tpu.dma_semaphore, #tpu.memory_space<semaphore_mem>>)
        %dma_wait3A_67 = arith.constant 0 : i32
        %dma_wait3A_68 = tpu.memref_slice %arg8[%add3A_62, %dma_wait3A_67] : memref<10240x128xf32, #tpu.memory_space<vmem_shared>> -> memref<80x128xf32, #tpu.memory_space<vmem_shared>>
        %dma_wait3A_69 = arith.constant 0 : i32
        %dma_wait3A_70 = tpu.memref_slice %arg8[%add3A_62, %dma_wait3A_69] : memref<10240x128xf32, #tpu.memory_space<vmem_shared>> -> memref<80x128xf32, #tpu.memory_space<vmem_shared>>
        tpu.wait_dma2 semaphore(%run_scoped3A : memref<!tpu.dma_semaphore, #tpu.memory_space<semaphore_mem>>) src(%arg7 : memref<80x128xf32, #tpu.memory_space<vmem>>) dst(%dma_wait3A_70 : memref<80x128xf32, #tpu.memory_space<vmem_shared>>)
        tpu.yield
      }) : () -> ()
    }
    %scan3A_4 = arith.constant 8 : i32
    %barrier3A = arith.constant 0 : index
    tpu.barrier barrier_id(%barrier3A)
    "tpu.region"() ({
      %run_scoped3A = tpu.sem_alloc : memref<!tpu.dma_semaphore, #tpu.memory_space<semaphore_mem>>
      tpu.enqueue_dma source(%arg3 : memref<80x128xf32, #tpu.memory_space<hbm>>) target(%arg7 : memref<80x128xf32, #tpu.memory_space<vmem>>) target_semaphore(%run_scoped3A : memref<!tpu.dma_semaphore, #tpu.memory_space<semaphore_mem>>)
      tpu.wait_dma2 semaphore(%run_scoped3A : memref<!tpu.dma_semaphore, #tpu.memory_space<semaphore_mem>>) src(%arg3 : memref<80x128xf32, #tpu.memory_space<hbm>>) dst(%arg7 : memref<80x128xf32, #tpu.memory_space<vmem>>)
      tpu.yield
    }) : () -> ()
    %dma_start3A = arith.constant 0 : i32
    %dma_start3A_5 = arith.constant 0 : i32
    %dma_start3A_6 = tpu.memref_slice %arg6[%dma_start3A, %dma_start3A_5] : memref<125x80xi32, #tpu.memory_space<vmem>> -> memref<1x80xi32, #tpu.memory_space<vmem>>
    %dma_start3A_7 = tpu.memref_squeeze %dma_start3A_6 : memref<1x80xi32, #tpu.memory_space<vmem>> -> memref<80xi32, #tpu.memory_space<vmem>>
    %dma_start3A_8 = arith.constant 0 : i32
    %dma_start3A_9 = arith.constant 0 : i32
    %dma_start3A_10 = tpu.memref_slice %arg8[%dma_start3A_8, %dma_start3A_9] : memref<10240x128xf32, #tpu.memory_space<vmem_shared>> -> memref<10240x128xf32, #tpu.memory_space<vmem_shared>>
    tpu.enqueue_indirect_dma source(%arg7 : memref<80x128xf32, #tpu.memory_space<vmem>>) target(%dma_start3A_10 : memref<10240x128xf32, #tpu.memory_space<vmem_shared>>) offsets(%dma_start3A_7 : memref<80xi32, #tpu.memory_space<vmem>>) semaphore(%arg9 : memref<!tpu.dma_semaphore, #tpu.memory_space<semaphore_mem>>) {add = true}
    %dma_start3A_11 = arith.constant 1 : i32
    %dma_start3A_12 = arith.constant 0 : i32
    %dma_start3A_13 = tpu.memref_slice %arg6[%dma_start3A_11, %dma_start3A_12] : memref<125x80xi32, #tpu.memory_space<vmem>> -> memref<1x80xi32, #tpu.memory_space<vmem>>
    %dma_start3A_14 = tpu.memref_squeeze %dma_start3A_13 : memref<1x80xi32, #tpu.memory_space<vmem>> -> memref<80xi32, #tpu.memory_space<vmem>>
    %dma_start3A_15 = arith.constant 0 : i32
    %dma_start3A_16 = arith.constant 0 : i32
    %dma_start3A_17 = tpu.memref_slice %arg8[%dma_start3A_15, %dma_start3A_16] : memref<10240x128xf32, #tpu.memory_space<vmem_shared>> -> memref<10240x128xf32, #tpu.memory_space<vmem_shared>>
    tpu.enqueue_indirect_dma source(%arg7 : memref<80x128xf32, #tpu.memory_space<vmem>>) target(%dma_start3A_17 : memref<10240x128xf32, #tpu.memory_space<vmem_shared>>) offsets(%dma_start3A_14 : memref<80xi32, #tpu.memory_space<vmem>>) semaphore(%arg10 : memref<!tpu.dma_semaphore, #tpu.memory_space<semaphore_mem>>) {add = true}
    %scan3A_18 = arith.constant 0 : i32
    %scan3A_19 = arith.constant 61 : i32
    %scan3A_20 = arith.addi %scan3A_18, %scan3A_19 : i32
    %scan3A_21 = arith.constant 1 : i32
    scf.for %scan3A_57 = %scan3A_18 to %scan3A_20 step %scan3A_21  : i32 {
      %mul3A_58 = arith.constant 2 : i32
      %mul3A_59 = arith.muli %mul3A_58, %scan3A_57 : i32
      %dma_wait3A_60 = arith.constant 0 : i32
      %dma_wait3A_61 = tpu.memref_slice %arg6[%mul3A_59, %dma_wait3A_60] : memref<125x80xi32, #tpu.memory_space<vmem>> -> memref<1x80xi32, #tpu.memory_space<vmem>>
      %dma_wait3A_62 = tpu.memref_squeeze %dma_wait3A_61 : memref<1x80xi32, #tpu.memory_space<vmem>> -> memref<80xi32, #tpu.memory_space<vmem>>
      %dma_wait3A_63 = arith.constant 0 : i32
      %dma_wait3A_64 = arith.constant 0 : i32
      %dma_wait3A_65 = tpu.memref_slice %arg8[%dma_wait3A_63, %dma_wait3A_64] : memref<10240x128xf32, #tpu.memory_space<vmem_shared>> -> memref<10240x128xf32, #tpu.memory_space<vmem_shared>>
      tpu.wait_indirect_dma semaphore(%arg9 : memref<!tpu.dma_semaphore, #tpu.memory_space<semaphore_mem>>) src(%arg7 : memref<80x128xf32, #tpu.memory_space<vmem>>) dst(%dma_wait3A_65 : memref<10240x128xf32, #tpu.memory_space<vmem_shared>>)
      %add3A_66 = arith.constant 2 : i32
      %add3A_67 = arith.addi %mul3A_59, %add3A_66 : i32
      %dma_start3A_68 = arith.constant 0 : i32
      %dma_start3A_69 = tpu.memref_slice %arg6[%add3A_67, %dma_start3A_68] : memref<125x80xi32, #tpu.memory_space<vmem>> -> memref<1x80xi32, #tpu.memory_space<vmem>>
      %dma_start3A_70 = tpu.memref_squeeze %dma_start3A_69 : memref<1x80xi32, #tpu.memory_space<vmem>> -> memref<80xi32, #tpu.memory_space<vmem>>
      %dma_start3A_71 = arith.constant 0 : i32
      %dma_start3A_72 = arith.constant 0 : i32
      %dma_start3A_73 = tpu.memref_slice %arg8[%dma_start3A_71, %dma_start3A_72] : memref<10240x128xf32, #tpu.memory_space<vmem_shared>> -> memref<10240x128xf32, #tpu.memory_space<vmem_shared>>
      tpu.enqueue_indirect_dma source(%arg7 : memref<80x128xf32, #tpu.memory_space<vmem>>) target(%dma_start3A_73 : memref<10240x128xf32, #tpu.memory_space<vmem_shared>>) offsets(%dma_start3A_70 : memref<80xi32, #tpu.memory_space<vmem>>) semaphore(%arg9 : memref<!tpu.dma_semaphore, #tpu.memory_space<semaphore_mem>>) {add = true}
      %add3A_74 = arith.constant 1 : i32
      %add3A_75 = arith.addi %mul3A_59, %add3A_74 : i32
      %dma_wait3A_76 = arith.constant 0 : i32
      %dma_wait3A_77 = tpu.memref_slice %arg6[%add3A_75, %dma_wait3A_76] : memref<125x80xi32, #tpu.memory_space<vmem>> -> memref<1x80xi32, #tpu.memory_space<vmem>>
      %dma_wait3A_78 = tpu.memref_squeeze %dma_wait3A_77 : memref<1x80xi32, #tpu.memory_space<vmem>> -> memref<80xi32, #tpu.memory_space<vmem>>
      %dma_wait3A_79 = arith.constant 0 : i32
      %dma_wait3A_80 = arith.constant 0 : i32
      %dma_wait3A_81 = tpu.memref_slice %arg8[%dma_wait3A_79, %dma_wait3A_80] : memref<10240x128xf32, #tpu.memory_space<vmem_shared>> -> memref<10240x128xf32, #tpu.memory_space<vmem_shared>>
      tpu.wait_indirect_dma semaphore(%arg10 : memref<!tpu.dma_semaphore, #tpu.memory_space<semaphore_mem>>) src(%arg7 : memref<80x128xf32, #tpu.memory_space<vmem>>) dst(%dma_wait3A_81 : memref<10240x128xf32, #tpu.memory_space<vmem_shared>>)
      %add3A_82 = arith.constant 3 : i32
      %add3A_83 = arith.addi %mul3A_59, %add3A_82 : i32
      %dma_start3A_84 = arith.constant 0 : i32
      %dma_start3A_85 = tpu.memref_slice %arg6[%add3A_83, %dma_start3A_84] : memref<125x80xi32, #tpu.memory_space<vmem>> -> memref<1x80xi32, #tpu.memory_space<vmem>>
      %dma_start3A_86 = tpu.memref_squeeze %dma_start3A_85 : memref<1x80xi32, #tpu.memory_space<vmem>> -> memref<80xi32, #tpu.memory_space<vmem>>
      %dma_start3A_87 = arith.constant 0 : i32
      %dma_start3A_88 = arith.constant 0 : i32
      %dma_start3A_89 = tpu.memref_slice %arg8[%dma_start3A_87, %dma_start3A_88] : memref<10240x128xf32, #tpu.memory_space<vmem_shared>> -> memref<10240x128xf32, #tpu.memory_space<vmem_shared>>
      tpu.enqueue_indirect_dma source(%arg7 : memref<80x128xf32, #tpu.memory_space<vmem>>) target(%dma_start3A_89 : memref<10240x128xf32, #tpu.memory_space<vmem_shared>>) offsets(%dma_start3A_86 : memref<80xi32, #tpu.memory_space<vmem>>) semaphore(%arg10 : memref<!tpu.dma_semaphore, #tpu.memory_space<semaphore_mem>>) {add = true}
    }
    %scan3A_22 = arith.constant 61 : i32
    %dma_wait3A = arith.constant 122 : i32
    %dma_wait3A_23 = arith.constant 0 : i32
    %dma_wait3A_24 = tpu.memref_slice %arg6[%dma_wait3A, %dma_wait3A_23] : memref<125x80xi32, #tpu.memory_space<vmem>> -> memref<1x80xi32, #tpu.memory_space<vmem>>
    %dma_wait3A_25 = tpu.memref_squeeze %dma_wait3A_24 : memref<1x80xi32, #tpu.memory_space<vmem>> -> memref<80xi32, #tpu.memory_space<vmem>>
    %dma_wait3A_26 = arith.constant 0 : i32
    %dma_wait3A_27 = arith.constant 0 : i32
    %dma_wait3A_28 = tpu.memref_slice %arg8[%dma_wait3A_26, %dma_wait3A_27] : memref<10240x128xf32, #tpu.memory_space<vmem_shared>> -> memref<10240x128xf32, #tpu.memory_space<vmem_shared>>
    tpu.wait_indirect_dma semaphore(%arg9 : memref<!tpu.dma_semaphore, #tpu.memory_space<semaphore_mem>>) src(%arg7 : memref<80x128xf32, #tpu.memory_space<vmem>>) dst(%dma_wait3A_28 : memref<10240x128xf32, #tpu.memory_space<vmem_shared>>)
    %dma_start3A_29 = arith.constant 124 : i32
    %dma_start3A_30 = arith.constant 0 : i32
    %dma_start3A_31 = tpu.memref_slice %arg6[%dma_start3A_29, %dma_start3A_30] : memref<125x80xi32, #tpu.memory_space<vmem>> -> memref<1x80xi32, #tpu.memory_space<vmem>>
    %dma_start3A_32 = tpu.memref_squeeze %dma_start3A_31 : memref<1x80xi32, #tpu.memory_space<vmem>> -> memref<80xi32, #tpu.memory_space<vmem>>
    %dma_start3A_33 = arith.constant 0 : i32
    %dma_start3A_34 = arith.constant 0 : i32
    %dma_start3A_35 = tpu.memref_slice %arg8[%dma_start3A_33, %dma_start3A_34] : memref<10240x128xf32, #tpu.memory_space<vmem_shared>> -> memref<10240x128xf32, #tpu.memory_space<vmem_shared>>
    tpu.enqueue_indirect_dma source(%arg7 : memref<80x128xf32, #tpu.memory_space<vmem>>) target(%dma_start3A_35 : memref<10240x128xf32, #tpu.memory_space<vmem_shared>>) offsets(%dma_start3A_32 : memref<80xi32, #tpu.memory_space<vmem>>) semaphore(%arg9 : memref<!tpu.dma_semaphore, #tpu.memory_space<semaphore_mem>>) {add = true}
    %dma_wait3A_36 = arith.constant 123 : i32
    %dma_wait3A_37 = arith.constant 0 : i32
    %dma_wait3A_38 = tpu.memref_slice %arg6[%dma_wait3A_36, %dma_wait3A_37] : memref<125x80xi32, #tpu.memory_space<vmem>> -> memref<1x80xi32, #tpu.memory_space<vmem>>
    %dma_wait3A_39 = tpu.memref_squeeze %dma_wait3A_38 : memref<1x80xi32, #tpu.memory_space<vmem>> -> memref<80xi32, #tpu.memory_space<vmem>>
    %dma_wait3A_40 = arith.constant 0 : i32
    %dma_wait3A_41 = arith.constant 0 : i32
    %dma_wait3A_42 = tpu.memref_slice %arg8[%dma_wait3A_40, %dma_wait3A_41] : memref<10240x128xf32, #tpu.memory_space<vmem_shared>> -> memref<10240x128xf32, #tpu.memory_space<vmem_shared>>
    tpu.wait_indirect_dma semaphore(%arg10 : memref<!tpu.dma_semaphore, #tpu.memory_space<semaphore_mem>>) src(%arg7 : memref<80x128xf32, #tpu.memory_space<vmem>>) dst(%dma_wait3A_42 : memref<10240x128xf32, #tpu.memory_space<vmem_shared>>)
    %dma_wait3A_43 = arith.constant 124 : i32
    %dma_wait3A_44 = arith.constant 0 : i32
    %dma_wait3A_45 = tpu.memref_slice %arg6[%dma_wait3A_43, %dma_wait3A_44] : memref<125x80xi32, #tpu.memory_space<vmem>> -> memref<1x80xi32, #tpu.memory_space<vmem>>
    %dma_wait3A_46 = tpu.memref_squeeze %dma_wait3A_45 : memref<1x80xi32, #tpu.memory_space<vmem>> -> memref<80xi32, #tpu.memory_space<vmem>>
    %dma_wait3A_47 = arith.constant 0 : i32
    %dma_wait3A_48 = arith.constant 0 : i32
    %dma_wait3A_49 = tpu.memref_slice %arg8[%dma_wait3A_47, %dma_wait3A_48] : memref<10240x128xf32, #tpu.memory_space<vmem_shared>> -> memref<10240x128xf32, #tpu.memory_space<vmem_shared>>
    tpu.wait_indirect_dma semaphore(%arg9 : memref<!tpu.dma_semaphore, #tpu.memory_space<semaphore_mem>>) src(%arg7 : memref<80x128xf32, #tpu.memory_space<vmem>>) dst(%dma_wait3A_49 : memref<10240x128xf32, #tpu.memory_space<vmem_shared>>)
    %barrier3A_50 = arith.constant 0 : index
    tpu.barrier barrier_id(%barrier3A_50)
    %mul3A_51 = arith.constant 624 : i32
    %mul3A_52 = arith.muli %arg1, %mul3A_51 : i32
    %mul3A_53 = arith.constant 624 : i32
    %mul3A_54 = arith.muli %arg1, %mul3A_53 : i32
    "tpu.region"() ({
      %run_scoped3A = tpu.sem_alloc : memref<!tpu.dma_semaphore, #tpu.memory_space<semaphore_mem>>
      %dma_start3A_57 = arith.constant 0 : i32
      %dma_start3A_58 = arith.constant 0 : i32
      %dma_start3A_59 = tpu.memref_slice %arg5[%arg0, %dma_start3A_57, %dma_start3A_58] : memref<2x10000x128xf32, #tpu.memory_space<hbm>> -> memref<1x10000x128xf32, #tpu.memory_space<hbm>>
      %dma_start3A_60 = tpu.memref_squeeze %dma_start3A_59 : memref<1x10000x128xf32, #tpu.memory_space<hbm>> -> memref<10000x128xf32, #tpu.memory_space<hbm>>
      %dma_start3A_61 = arith.constant 0 : i32
      %dma_start3A_62 = tpu.memref_slice %dma_start3A_60[%mul3A_54, %dma_start3A_61] : memref<10000x128xf32, #tpu.memory_space<hbm>> -> memref<624x128xf32, #tpu.memory_space<hbm>>
      %dma_start3A_63 = arith.constant 0 : i32
      %dma_start3A_64 = tpu.memref_slice %arg8[%mul3A_52, %dma_start3A_63] : memref<10240x128xf32, #tpu.memory_space<vmem_shared>> -> memref<624x128xf32, #tpu.memory_space<vmem_shared>>
      tpu.enqueue_dma source(%dma_start3A_64 : memref<624x128xf32, #tpu.memory_space<vmem_shared>>) target(%dma_start3A_62 : memref<624x128xf32, #tpu.memory_space<hbm>>) target_semaphore(%run_scoped3A : memref<!tpu.dma_semaphore, #tpu.memory_space<semaphore_mem>>)
      %dma_wait3A_65 = arith.constant 0 : i32
      %dma_wait3A_66 = arith.constant 0 : i32
      %dma_wait3A_67 = tpu.memref_slice %arg5[%arg0, %dma_wait3A_65, %dma_wait3A_66] : memref<2x10000x128xf32, #tpu.memory_space<hbm>> -> memref<1x10000x128xf32, #tpu.memory_space<hbm>>
      %dma_wait3A_68 = tpu.memref_squeeze %dma_wait3A_67 : memref<1x10000x128xf32, #tpu.memory_space<hbm>> -> memref<10000x128xf32, #tpu.memory_space<hbm>>
      %dma_wait3A_69 = arith.constant 0 : i32
      %dma_wait3A_70 = tpu.memref_slice %dma_wait3A_68[%mul3A_54, %dma_wait3A_69] : memref<10000x128xf32, #tpu.memory_space<hbm>> -> memref<624x128xf32, #tpu.memory_space<hbm>>
      %dma_wait3A_71 = arith.constant 0 : i32
      %dma_wait3A_72 = tpu.memref_slice %arg8[%mul3A_52, %dma_wait3A_71] : memref<10240x128xf32, #tpu.memory_space<vmem_shared>> -> memref<624x128xf32, #tpu.memory_space<vmem_shared>>
      tpu.wait_dma2 semaphore(%run_scoped3A : memref<!tpu.dma_semaphore, #tpu.memory_space<semaphore_mem>>) src(%dma_wait3A_72 : memref<624x128xf32, #tpu.memory_space<vmem_shared>>) dst(%dma_wait3A_70 : memref<624x128xf32, #tpu.memory_space<hbm>>)
      tpu.yield
    }) : () -> ()
    %eq3A = arith.constant 15 : i32
    %eq3A_55 = arith.cmpi eq, %arg1, %eq3A : i32
    %convert_element_type3A = arith.extui %eq3A_55 : i1 to i32
    %cond3A = arith.constant 0 : i32
    %cond3A_56 = arith.cmpi ne, %convert_element_type3A, %cond3A : i32
    scf.if %cond3A_56 {
      "tpu.region"() ({
        %run_scoped3A = tpu.sem_alloc : memref<!tpu.dma_semaphore, #tpu.memory_space<semaphore_mem>>
        %dma_start3A_57 = arith.constant 0 : i32
        %dma_start3A_58 = arith.constant 0 : i32
        %dma_start3A_59 = tpu.memref_slice %arg5[%arg0, %dma_start3A_57, %dma_start3A_58] : memref<2x10000x128xf32, #tpu.memory_space<hbm>> -> memref<1x10000x128xf32, #tpu.memory_space<hbm>>
        %dma_start3A_60 = tpu.memref_squeeze %dma_start3A_59 : memref<1x10000x128xf32, #tpu.memory_space<hbm>> -> memref<10000x128xf32, #tpu.memory_space<hbm>>
        %dma_start3A_61 = arith.constant 9984 : i32
        %dma_start3A_62 = arith.constant 0 : i32
        %dma_start3A_63 = tpu.memref_slice %dma_start3A_60[%dma_start3A_61, %dma_start3A_62] : memref<10000x128xf32, #tpu.memory_space<hbm>> -> memref<16x128xf32, #tpu.memory_space<hbm>>
        %dma_start3A_64 = arith.constant 9984 : i32
        %dma_start3A_65 = arith.constant 0 : i32
        %dma_start3A_66 = tpu.memref_slice %arg8[%dma_start3A_64, %dma_start3A_65] : memref<10240x128xf32, #tpu.memory_space<vmem_shared>> -> memref<16x128xf32, #tpu.memory_space<vmem_shared>>
        tpu.enqueue_dma source(%dma_start3A_66 : memref<16x128xf32, #tpu.memory_space<vmem_shared>>) target(%dma_start3A_63 : memref<16x128xf32, #tpu.memory_space<hbm>>) target_semaphore(%run_scoped3A : memref<!tpu.dma_semaphore, #tpu.memory_space<semaphore_mem>>)
        %dma_wait3A_67 = arith.constant 0 : i32
        %dma_wait3A_68 = arith.constant 0 : i32
        %dma_wait3A_69 = tpu.memref_slice %arg5[%arg0, %dma_wait3A_67, %dma_wait3A_68] : memref<2x10000x128xf32, #tpu.memory_space<hbm>> -> memref<1x10000x128xf32, #tpu.memory_space<hbm>>
        %dma_wait3A_70 = tpu.memref_squeeze %dma_wait3A_69 : memref<1x10000x128xf32, #tpu.memory_space<hbm>> -> memref<10000x128xf32, #tpu.memory_space<hbm>>
        %dma_wait3A_71 = arith.constant 9984 : i32
        %dma_wait3A_72 = arith.constant 0 : i32
        %dma_wait3A_73 = tpu.memref_slice %dma_wait3A_70[%dma_wait3A_71, %dma_wait3A_72] : memref<10000x128xf32, #tpu.memory_space<hbm>> -> memref<16x128xf32, #tpu.memory_space<hbm>>
        %dma_wait3A_74 = arith.constant 9984 : i32
        %dma_wait3A_75 = arith.constant 0 : i32
        %dma_wait3A_76 = tpu.memref_slice %arg8[%dma_wait3A_74, %dma_wait3A_75] : memref<10240x128xf32, #tpu.memory_space<vmem_shared>> -> memref<16x128xf32, #tpu.memory_space<vmem_shared>>
        tpu.wait_dma2 semaphore(%run_scoped3A : memref<!tpu.dma_semaphore, #tpu.memory_space<semaphore_mem>>) src(%dma_wait3A_76 : memref<16x128xf32, #tpu.memory_space<vmem_shared>>) dst(%dma_wait3A_73 : memref<16x128xf32, #tpu.memory_space<hbm>>)
        tpu.yield
      }) : () -> ()
    } else {
    }
    return
  }
}

#map = affine_map<(d0, d1) -> (0, 0)>
#map1 = affine_map<(d0, d1) -> (0, 0, 0)>
module attributes {stable_mosaic.version = 14 : i64} {
  func.func @_scat_body(%arg0: i32, %arg1: i32, %arg2: memref<10000x128xf32, #tpu.memory_space<hbm>>, %arg3: memref<32x10000xi32, #tpu.memory_space<hbm>>, %arg4: memref<32x125x80xi32, #tpu.memory_space<hbm>>, %arg5: memref<80x128xf32, #tpu.memory_space<hbm>>, %arg6: memref<2x10000x128xf32, #tpu.memory_space<hbm>>, %arg7: memref<10000xi32, #tpu.memory_space<vmem>>, %arg8: memref<125x80xi32, #tpu.memory_space<vmem>>, %arg9: memref<80x128xf32, #tpu.memory_space<vmem>>, %arg10: memref<80x128xf32, #tpu.memory_space<vmem>>, %arg11: memref<10240x128xf32, #tpu.memory_space<vmem_shared>>, %arg12: memref<!tpu.dma_semaphore, #tpu.memory_space<semaphore_mem>>, %arg13: memref<!tpu.dma_semaphore, #tpu.memory_space<semaphore_mem>>) attributes {dimension_semantics = [#tpu.dimension_semantics<core_parallel>, #tpu.dimension_semantics<subcore_parallel>], iteration_bounds = array<i64: 2, 16>, scalar_prefetch = 0 : i64, scratch_operands = 7 : i64, tpu.core_type = #tpu.core_type<sc_vector_subcore>, window_params = [{transform_indices = #map}, {transform_indices = #map}, {transform_indices = #map1}, {transform_indices = #map}, {transform_indices = #map1}]} {
    %mul3A = arith.constant 2 : i32
    %mul3A_0 = arith.muli %arg1, %mul3A : i32
    %add3A = arith.addi %mul3A_0, %arg0 : i32
    "tpu.region"() ({
      %run_scoped3A_25 = tpu.sem_alloc : memref<!tpu.dma_semaphore, #tpu.memory_space<semaphore_mem>>
      %dma_start3A_26 = arith.constant 0 : i32
      %dma_start3A_27 = tpu.memref_slice %arg3[%add3A, %dma_start3A_26] : memref<32x10000xi32, #tpu.memory_space<hbm>> -> memref<1x10000xi32, #tpu.memory_space<hbm>>
      %dma_start3A_28 = tpu.memref_squeeze %dma_start3A_27 : memref<1x10000xi32, #tpu.memory_space<hbm>> -> memref<10000xi32, #tpu.memory_space<hbm>>
      %dma_start3A_29 = arith.constant 0 : i32
      %dma_start3A_30 = tpu.memref_slice %arg3[%add3A, %dma_start3A_29] : memref<32x10000xi32, #tpu.memory_space<hbm>> -> memref<1x10000xi32, #tpu.memory_space<hbm>>
      %dma_start3A_31 = tpu.memref_squeeze %dma_start3A_30 : memref<1x10000xi32, #tpu.memory_space<hbm>> -> memref<10000xi32, #tpu.memory_space<hbm>>
      tpu.enqueue_dma source(%dma_start3A_31 : memref<10000xi32, #tpu.memory_space<hbm>>) target(%arg7 : memref<10000xi32, #tpu.memory_space<vmem>>) target_semaphore(%run_scoped3A_25 : memref<!tpu.dma_semaphore, #tpu.memory_space<semaphore_mem>>)
      %dma_wait3A_32 = arith.constant 0 : i32
      %dma_wait3A_33 = tpu.memref_slice %arg3[%add3A, %dma_wait3A_32] : memref<32x10000xi32, #tpu.memory_space<hbm>> -> memref<1x10000xi32, #tpu.memory_space<hbm>>
      %dma_wait3A_34 = tpu.memref_squeeze %dma_wait3A_33 : memref<1x10000xi32, #tpu.memory_space<hbm>> -> memref<10000xi32, #tpu.memory_space<hbm>>
      %dma_wait3A_35 = arith.constant 0 : i32
      %dma_wait3A_36 = tpu.memref_slice %arg3[%add3A, %dma_wait3A_35] : memref<32x10000xi32, #tpu.memory_space<hbm>> -> memref<1x10000xi32, #tpu.memory_space<hbm>>
      %dma_wait3A_37 = tpu.memref_squeeze %dma_wait3A_36 : memref<1x10000xi32, #tpu.memory_space<hbm>> -> memref<10000xi32, #tpu.memory_space<hbm>>
      tpu.wait_dma2 semaphore(%run_scoped3A_25 : memref<!tpu.dma_semaphore, #tpu.memory_space<semaphore_mem>>) src(%dma_wait3A_37 : memref<10000xi32, #tpu.memory_space<hbm>>) dst(%arg7 : memref<10000xi32, #tpu.memory_space<vmem>>)
      tpu.yield
    }) : () -> ()
    "tpu.region"() ({
      %run_scoped3A_25 = tpu.sem_alloc : memref<!tpu.dma_semaphore, #tpu.memory_space<semaphore_mem>>
      %dma_start3A_26 = arith.constant 0 : i32
      %dma_start3A_27 = arith.constant 0 : i32
      %dma_start3A_28 = tpu.memref_slice %arg4[%add3A, %dma_start3A_26, %dma_start3A_27] : memref<32x125x80xi32, #tpu.memory_space<hbm>> -> memref<1x125x80xi32, #tpu.memory_space<hbm>>
      %dma_start3A_29 = tpu.memref_squeeze %dma_start3A_28 : memref<1x125x80xi32, #tpu.memory_space<hbm>> -> memref<125x80xi32, #tpu.memory_space<hbm>>
      %dma_start3A_30 = arith.constant 0 : i32
      %dma_start3A_31 = arith.constant 0 : i32
      %dma_start3A_32 = tpu.memref_slice %arg4[%add3A, %dma_start3A_30, %dma_start3A_31] : memref<32x125x80xi32, #tpu.memory_space<hbm>> -> memref<1x125x80xi32, #tpu.memory_space<hbm>>
      %dma_start3A_33 = tpu.memref_squeeze %dma_start3A_32 : memref<1x125x80xi32, #tpu.memory_space<hbm>> -> memref<125x80xi32, #tpu.memory_space<hbm>>
      tpu.enqueue_dma source(%dma_start3A_33 : memref<125x80xi32, #tpu.memory_space<hbm>>) target(%arg8 : memref<125x80xi32, #tpu.memory_space<vmem>>) target_semaphore(%run_scoped3A_25 : memref<!tpu.dma_semaphore, #tpu.memory_space<semaphore_mem>>)
      %dma_wait3A_34 = arith.constant 0 : i32
      %dma_wait3A_35 = arith.constant 0 : i32
      %dma_wait3A_36 = tpu.memref_slice %arg4[%add3A, %dma_wait3A_34, %dma_wait3A_35] : memref<32x125x80xi32, #tpu.memory_space<hbm>> -> memref<1x125x80xi32, #tpu.memory_space<hbm>>
      %dma_wait3A_37 = tpu.memref_squeeze %dma_wait3A_36 : memref<1x125x80xi32, #tpu.memory_space<hbm>> -> memref<125x80xi32, #tpu.memory_space<hbm>>
      %dma_wait3A_38 = arith.constant 0 : i32
      %dma_wait3A_39 = arith.constant 0 : i32
      %dma_wait3A_40 = tpu.memref_slice %arg4[%add3A, %dma_wait3A_38, %dma_wait3A_39] : memref<32x125x80xi32, #tpu.memory_space<hbm>> -> memref<1x125x80xi32, #tpu.memory_space<hbm>>
      %dma_wait3A_41 = tpu.memref_squeeze %dma_wait3A_40 : memref<1x125x80xi32, #tpu.memory_space<hbm>> -> memref<125x80xi32, #tpu.memory_space<hbm>>
      tpu.wait_dma2 semaphore(%run_scoped3A_25 : memref<!tpu.dma_semaphore, #tpu.memory_space<semaphore_mem>>) src(%dma_wait3A_41 : memref<125x80xi32, #tpu.memory_space<hbm>>) dst(%arg8 : memref<125x80xi32, #tpu.memory_space<vmem>>)
      tpu.yield
    }) : () -> ()
    "tpu.region"() ({
      %run_scoped3A_25 = tpu.sem_alloc : memref<!tpu.dma_semaphore, #tpu.memory_space<semaphore_mem>>
      tpu.enqueue_dma source(%arg5 : memref<80x128xf32, #tpu.memory_space<hbm>>) target(%arg9 : memref<80x128xf32, #tpu.memory_space<vmem>>) target_semaphore(%run_scoped3A_25 : memref<!tpu.dma_semaphore, #tpu.memory_space<semaphore_mem>>)
      tpu.wait_dma2 semaphore(%run_scoped3A_25 : memref<!tpu.dma_semaphore, #tpu.memory_space<semaphore_mem>>) src(%arg5 : memref<80x128xf32, #tpu.memory_space<hbm>>) dst(%arg9 : memref<80x128xf32, #tpu.memory_space<vmem>>)
      tpu.yield
    }) : () -> ()
    %scan3A = arith.constant 0 : i32
    %scan3A_1 = arith.constant 8 : i32
    %scan3A_2 = arith.addi %scan3A, %scan3A_1 : i32
    %scan3A_3 = arith.constant 1 : i32
    scf.for %scan3A_25 = %scan3A to %scan3A_2 step %scan3A_3  : i32 {
      %mul3A_26 = arith.constant 640 : i32
      %mul3A_27 = arith.muli %arg1, %mul3A_26 : i32
      %mul3A_28 = arith.constant 80 : i32
      %mul3A_29 = arith.muli %scan3A_25, %mul3A_28 : i32
      %add3A_30 = arith.addi %mul3A_27, %mul3A_29 : i32
      "tpu.region"() ({
        %run_scoped3A_31 = tpu.sem_alloc : memref<!tpu.dma_semaphore, #tpu.memory_space<semaphore_mem>>
        %dma_start3A_32 = arith.constant 0 : i32
        %dma_start3A_33 = tpu.memref_slice %arg11[%add3A_30, %dma_start3A_32] : memref<10240x128xf32, #tpu.memory_space<vmem_shared>> -> memref<80x128xf32, #tpu.memory_space<vmem_shared>>
        %dma_start3A_34 = arith.constant 0 : i32
        %dma_start3A_35 = tpu.memref_slice %arg11[%add3A_30, %dma_start3A_34] : memref<10240x128xf32, #tpu.memory_space<vmem_shared>> -> memref<80x128xf32, #tpu.memory_space<vmem_shared>>
        tpu.enqueue_dma source(%arg9 : memref<80x128xf32, #tpu.memory_space<vmem>>) target(%dma_start3A_35 : memref<80x128xf32, #tpu.memory_space<vmem_shared>>) target_semaphore(%run_scoped3A_31 : memref<!tpu.dma_semaphore, #tpu.memory_space<semaphore_mem>>)
        %dma_wait3A_36 = arith.constant 0 : i32
        %dma_wait3A_37 = tpu.memref_slice %arg11[%add3A_30, %dma_wait3A_36] : memref<10240x128xf32, #tpu.memory_space<vmem_shared>> -> memref<80x128xf32, #tpu.memory_space<vmem_shared>>
        %dma_wait3A_38 = arith.constant 0 : i32
        %dma_wait3A_39 = tpu.memref_slice %arg11[%add3A_30, %dma_wait3A_38] : memref<10240x128xf32, #tpu.memory_space<vmem_shared>> -> memref<80x128xf32, #tpu.memory_space<vmem_shared>>
        tpu.wait_dma2 semaphore(%run_scoped3A_31 : memref<!tpu.dma_semaphore, #tpu.memory_space<semaphore_mem>>) src(%arg9 : memref<80x128xf32, #tpu.memory_space<vmem>>) dst(%dma_wait3A_39 : memref<80x128xf32, #tpu.memory_space<vmem_shared>>)
        tpu.yield
      }) : () -> ()
    }
    %scan3A_4 = arith.constant 8 : i32
    %barrier3A = arith.constant 0 : index
    tpu.barrier barrier_id(%barrier3A)
    %dma_start3A = arith.constant 0 : i32
    %dma_start3A_5 = tpu.memref_slice %arg7[%dma_start3A] : memref<10000xi32, #tpu.memory_space<vmem>> -> memref<80xi32, #tpu.memory_space<vmem>>
    %dma_start3A_6 = arith.constant 0 : i32
    %dma_start3A_7 = arith.constant 0 : i32
    %dma_start3A_8 = tpu.memref_slice %arg2[%dma_start3A_6, %dma_start3A_7] : memref<10000x128xf32, #tpu.memory_space<hbm>> -> memref<10000x128xf32, #tpu.memory_space<hbm>>
    tpu.enqueue_indirect_dma source(%dma_start3A_8 : memref<10000x128xf32, #tpu.memory_space<hbm>>) target(%arg9 : memref<80x128xf32, #tpu.memory_space<vmem>>) offsets(%dma_start3A_5 : memref<80xi32, #tpu.memory_space<vmem>>) semaphore(%arg12 : memref<!tpu.dma_semaphore, #tpu.memory_space<semaphore_mem>>)
    %scan3A_9 = arith.constant 0 : i32
    %scan3A_10 = arith.constant 62 : i32
    %scan3A_11 = arith.addi %scan3A_9, %scan3A_10 : i32
    %scan3A_12 = arith.constant 1 : i32
    scf.for %scan3A_25 = %scan3A_9 to %scan3A_11 step %scan3A_12  : i32 {
      %mul3A_26 = arith.constant 2 : i32
      %mul3A_27 = arith.muli %mul3A_26, %scan3A_25 : i32
      %mul3A_28 = arith.constant 80 : i32
      %mul3A_29 = arith.muli %mul3A_27, %mul3A_28 : i32
      %dma_wait3A_30 = tpu.memref_slice %arg7[%mul3A_29] : memref<10000xi32, #tpu.memory_space<vmem>> -> memref<80xi32, #tpu.memory_space<vmem>>
      %dma_wait3A_31 = arith.constant 0 : i32
      %dma_wait3A_32 = arith.constant 0 : i32
      %dma_wait3A_33 = tpu.memref_slice %arg2[%dma_wait3A_31, %dma_wait3A_32] : memref<10000x128xf32, #tpu.memory_space<hbm>> -> memref<10000x128xf32, #tpu.memory_space<hbm>>
      tpu.wait_indirect_dma semaphore(%arg12 : memref<!tpu.dma_semaphore, #tpu.memory_space<semaphore_mem>>) src(%dma_wait3A_33 : memref<10000x128xf32, #tpu.memory_space<hbm>>) dst(%arg9 : memref<80x128xf32, #tpu.memory_space<vmem>>)
      %add3A_34 = arith.constant 1 : i32
      %add3A_35 = arith.addi %mul3A_27, %add3A_34 : i32
      %mul3A_36 = arith.constant 80 : i32
      %mul3A_37 = arith.muli %add3A_35, %mul3A_36 : i32
      %dma_start3A_38 = tpu.memref_slice %arg7[%mul3A_37] : memref<10000xi32, #tpu.memory_space<vmem>> -> memref<80xi32, #tpu.memory_space<vmem>>
      %dma_start3A_39 = arith.constant 0 : i32
      %dma_start3A_40 = arith.constant 0 : i32
      %dma_start3A_41 = tpu.memref_slice %arg2[%dma_start3A_39, %dma_start3A_40] : memref<10000x128xf32, #tpu.memory_space<hbm>> -> memref<10000x128xf32, #tpu.memory_space<hbm>>
      tpu.enqueue_indirect_dma source(%dma_start3A_41 : memref<10000x128xf32, #tpu.memory_space<hbm>>) target(%arg10 : memref<80x128xf32, #tpu.memory_space<vmem>>) offsets(%dma_start3A_38 : memref<80xi32, #tpu.memory_space<vmem>>) semaphore(%arg13 : memref<!tpu.dma_semaphore, #tpu.memory_space<semaphore_mem>>)
      "tpu.region"() ({
        %run_scoped3A_60 = tpu.sem_alloc : memref<!tpu.dma_semaphore, #tpu.memory_space<semaphore_mem>>
        %dma_start3A_61 = arith.constant 0 : i32
        %dma_start3A_62 = tpu.memref_slice %arg8[%mul3A_27, %dma_start3A_61] : memref<125x80xi32, #tpu.memory_space<vmem>> -> memref<1x80xi32, #tpu.memory_space<vmem>>
        %dma_start3A_63 = tpu.memref_squeeze %dma_start3A_62 : memref<1x80xi32, #tpu.memory_space<vmem>> -> memref<80xi32, #tpu.memory_space<vmem>>
        %dma_start3A_64 = arith.constant 0 : i32
        %dma_start3A_65 = arith.constant 0 : i32
        %dma_start3A_66 = tpu.memref_slice %arg11[%dma_start3A_64, %dma_start3A_65] : memref<10240x128xf32, #tpu.memory_space<vmem_shared>> -> memref<10240x128xf32, #tpu.memory_space<vmem_shared>>
        tpu.enqueue_indirect_dma source(%arg9 : memref<80x128xf32, #tpu.memory_space<vmem>>) target(%dma_start3A_66 : memref<10240x128xf32, #tpu.memory_space<vmem_shared>>) offsets(%dma_start3A_63 : memref<80xi32, #tpu.memory_space<vmem>>) semaphore(%run_scoped3A_60 : memref<!tpu.dma_semaphore, #tpu.memory_space<semaphore_mem>>) {add = true}
        %dma_wait3A_67 = arith.constant 0 : i32
        %dma_wait3A_68 = tpu.memref_slice %arg8[%mul3A_27, %dma_wait3A_67] : memref<125x80xi32, #tpu.memory_space<vmem>> -> memref<1x80xi32, #tpu.memory_space<vmem>>
        %dma_wait3A_69 = tpu.memref_squeeze %dma_wait3A_68 : memref<1x80xi32, #tpu.memory_space<vmem>> -> memref<80xi32, #tpu.memory_space<vmem>>
        %dma_wait3A_70 = arith.constant 0 : i32
        %dma_wait3A_71 = arith.constant 0 : i32
        %dma_wait3A_72 = tpu.memref_slice %arg11[%dma_wait3A_70, %dma_wait3A_71] : memref<10240x128xf32, #tpu.memory_space<vmem_shared>> -> memref<10240x128xf32, #tpu.memory_space<vmem_shared>>
        tpu.wait_indirect_dma semaphore(%run_scoped3A_60 : memref<!tpu.dma_semaphore, #tpu.memory_space<semaphore_mem>>) src(%arg9 : memref<80x128xf32, #tpu.memory_space<vmem>>) dst(%dma_wait3A_72 : memref<10240x128xf32, #tpu.memory_space<vmem_shared>>)
        tpu.yield
      }) : () -> ()
      %add3A_42 = arith.constant 1 : i32
      %add3A_43 = arith.addi %mul3A_27, %add3A_42 : i32
      %mul3A_44 = arith.constant 80 : i32
      %mul3A_45 = arith.muli %add3A_43, %mul3A_44 : i32
      %dma_wait3A_46 = tpu.memref_slice %arg7[%mul3A_45] : memref<10000xi32, #tpu.memory_space<vmem>> -> memref<80xi32, #tpu.memory_space<vmem>>
      %dma_wait3A_47 = arith.constant 0 : i32
      %dma_wait3A_48 = arith.constant 0 : i32
      %dma_wait3A_49 = tpu.memref_slice %arg2[%dma_wait3A_47, %dma_wait3A_48] : memref<10000x128xf32, #tpu.memory_space<hbm>> -> memref<10000x128xf32, #tpu.memory_space<hbm>>
      tpu.wait_indirect_dma semaphore(%arg13 : memref<!tpu.dma_semaphore, #tpu.memory_space<semaphore_mem>>) src(%dma_wait3A_49 : memref<10000x128xf32, #tpu.memory_space<hbm>>) dst(%arg10 : memref<80x128xf32, #tpu.memory_space<vmem>>)
      %add3A_50 = arith.constant 2 : i32
      %add3A_51 = arith.addi %mul3A_27, %add3A_50 : i32
      %mul3A_52 = arith.constant 80 : i32
      %mul3A_53 = arith.muli %add3A_51, %mul3A_52 : i32
      %dma_start3A_54 = tpu.memref_slice %arg7[%mul3A_53] : memref<10000xi32, #tpu.memory_space<vmem>> -> memref<80xi32, #tpu.memory_space<vmem>>
      %dma_start3A_55 = arith.constant 0 : i32
      %dma_start3A_56 = arith.constant 0 : i32
      %dma_start3A_57 = tpu.memref_slice %arg2[%dma_start3A_55, %dma_start3A_56] : memref<10000x128xf32, #tpu.memory_space<hbm>> -> memref<10000x128xf32, #tpu.memory_space<hbm>>
      tpu.enqueue_indirect_dma source(%dma_start3A_57 : memref<10000x128xf32, #tpu.memory_space<hbm>>) target(%arg9 : memref<80x128xf32, #tpu.memory_space<vmem>>) offsets(%dma_start3A_54 : memref<80xi32, #tpu.memory_space<vmem>>) semaphore(%arg12 : memref<!tpu.dma_semaphore, #tpu.memory_space<semaphore_mem>>)
      %add3A_58 = arith.constant 1 : i32
      %add3A_59 = arith.addi %mul3A_27, %add3A_58 : i32
      "tpu.region"() ({
        %run_scoped3A_60 = tpu.sem_alloc : memref<!tpu.dma_semaphore, #tpu.memory_space<semaphore_mem>>
        %dma_start3A_61 = arith.constant 0 : i32
        %dma_start3A_62 = tpu.memref_slice %arg8[%add3A_59, %dma_start3A_61] : memref<125x80xi32, #tpu.memory_space<vmem>> -> memref<1x80xi32, #tpu.memory_space<vmem>>
        %dma_start3A_63 = tpu.memref_squeeze %dma_start3A_62 : memref<1x80xi32, #tpu.memory_space<vmem>> -> memref<80xi32, #tpu.memory_space<vmem>>
        %dma_start3A_64 = arith.constant 0 : i32
        %dma_start3A_65 = arith.constant 0 : i32
        %dma_start3A_66 = tpu.memref_slice %arg11[%dma_start3A_64, %dma_start3A_65] : memref<10240x128xf32, #tpu.memory_space<vmem_shared>> -> memref<10240x128xf32, #tpu.memory_space<vmem_shared>>
        tpu.enqueue_indirect_dma source(%arg10 : memref<80x128xf32, #tpu.memory_space<vmem>>) target(%dma_start3A_66 : memref<10240x128xf32, #tpu.memory_space<vmem_shared>>) offsets(%dma_start3A_63 : memref<80xi32, #tpu.memory_space<vmem>>) semaphore(%run_scoped3A_60 : memref<!tpu.dma_semaphore, #tpu.memory_space<semaphore_mem>>) {add = true}
        %dma_wait3A_67 = arith.constant 0 : i32
        %dma_wait3A_68 = tpu.memref_slice %arg8[%add3A_59, %dma_wait3A_67] : memref<125x80xi32, #tpu.memory_space<vmem>> -> memref<1x80xi32, #tpu.memory_space<vmem>>
        %dma_wait3A_69 = tpu.memref_squeeze %dma_wait3A_68 : memref<1x80xi32, #tpu.memory_space<vmem>> -> memref<80xi32, #tpu.memory_space<vmem>>
        %dma_wait3A_70 = arith.constant 0 : i32
        %dma_wait3A_71 = arith.constant 0 : i32
        %dma_wait3A_72 = tpu.memref_slice %arg11[%dma_wait3A_70, %dma_wait3A_71] : memref<10240x128xf32, #tpu.memory_space<vmem_shared>> -> memref<10240x128xf32, #tpu.memory_space<vmem_shared>>
        tpu.wait_indirect_dma semaphore(%run_scoped3A_60 : memref<!tpu.dma_semaphore, #tpu.memory_space<semaphore_mem>>) src(%arg10 : memref<80x128xf32, #tpu.memory_space<vmem>>) dst(%dma_wait3A_72 : memref<10240x128xf32, #tpu.memory_space<vmem_shared>>)
        tpu.yield
      }) : () -> ()
    }
    %scan3A_13 = arith.constant 62 : i32
    %dma_wait3A = arith.constant 9920 : i32
    %dma_wait3A_14 = tpu.memref_slice %arg7[%dma_wait3A] : memref<10000xi32, #tpu.memory_space<vmem>> -> memref<80xi32, #tpu.memory_space<vmem>>
    %dma_wait3A_15 = arith.constant 0 : i32
    %dma_wait3A_16 = arith.constant 0 : i32
    %dma_wait3A_17 = tpu.memref_slice %arg2[%dma_wait3A_15, %dma_wait3A_16] : memref<10000x128xf32, #tpu.memory_space<hbm>> -> memref<10000x128xf32, #tpu.memory_space<hbm>>
    tpu.wait_indirect_dma semaphore(%arg12 : memref<!tpu.dma_semaphore, #tpu.memory_space<semaphore_mem>>) src(%dma_wait3A_17 : memref<10000x128xf32, #tpu.memory_space<hbm>>) dst(%arg9 : memref<80x128xf32, #tpu.memory_space<vmem>>)
    %run_scoped3A = arith.constant 124 : i32
    "tpu.region"() ({
      %run_scoped3A_25 = tpu.sem_alloc : memref<!tpu.dma_semaphore, #tpu.memory_space<semaphore_mem>>
      %dma_start3A_26 = arith.constant 0 : i32
      %dma_start3A_27 = tpu.memref_slice %arg8[%run_scoped3A, %dma_start3A_26] : memref<125x80xi32, #tpu.memory_space<vmem>> -> memref<1x80xi32, #tpu.memory_space<vmem>>
      %dma_start3A_28 = tpu.memref_squeeze %dma_start3A_27 : memref<1x80xi32, #tpu.memory_space<vmem>> -> memref<80xi32, #tpu.memory_space<vmem>>
      %dma_start3A_29 = arith.constant 0 : i32
      %dma_start3A_30 = arith.constant 0 : i32
      %dma_start3A_31 = tpu.memref_slice %arg11[%dma_start3A_29, %dma_start3A_30] : memref<10240x128xf32, #tpu.memory_space<vmem_shared>> -> memref<10240x128xf32, #tpu.memory_space<vmem_shared>>
      tpu.enqueue_indirect_dma source(%arg9 : memref<80x128xf32, #tpu.memory_space<vmem>>) target(%dma_start3A_31 : memref<10240x128xf32, #tpu.memory_space<vmem_shared>>) offsets(%dma_start3A_28 : memref<80xi32, #tpu.memory_space<vmem>>) semaphore(%run_scoped3A_25 : memref<!tpu.dma_semaphore, #tpu.memory_space<semaphore_mem>>) {add = true}
      %dma_wait3A_32 = arith.constant 0 : i32
      %dma_wait3A_33 = tpu.memref_slice %arg8[%run_scoped3A, %dma_wait3A_32] : memref<125x80xi32, #tpu.memory_space<vmem>> -> memref<1x80xi32, #tpu.memory_space<vmem>>
      %dma_wait3A_34 = tpu.memref_squeeze %dma_wait3A_33 : memref<1x80xi32, #tpu.memory_space<vmem>> -> memref<80xi32, #tpu.memory_space<vmem>>
      %dma_wait3A_35 = arith.constant 0 : i32
      %dma_wait3A_36 = arith.constant 0 : i32
      %dma_wait3A_37 = tpu.memref_slice %arg11[%dma_wait3A_35, %dma_wait3A_36] : memref<10240x128xf32, #tpu.memory_space<vmem_shared>> -> memref<10240x128xf32, #tpu.memory_space<vmem_shared>>
      tpu.wait_indirect_dma semaphore(%run_scoped3A_25 : memref<!tpu.dma_semaphore, #tpu.memory_space<semaphore_mem>>) src(%arg9 : memref<80x128xf32, #tpu.memory_space<vmem>>) dst(%dma_wait3A_37 : memref<10240x128xf32, #tpu.memory_space<vmem_shared>>)
      tpu.yield
    }) : () -> ()
    %barrier3A_18 = arith.constant 0 : index
    tpu.barrier barrier_id(%barrier3A_18)
    %mul3A_19 = arith.constant 624 : i32
    %mul3A_20 = arith.muli %arg1, %mul3A_19 : i32
    %mul3A_21 = arith.constant 624 : i32
    %mul3A_22 = arith.muli %arg1, %mul3A_21 : i32
    "tpu.region"() ({
      %run_scoped3A_25 = tpu.sem_alloc : memref<!tpu.dma_semaphore, #tpu.memory_space<semaphore_mem>>
      %dma_start3A_26 = arith.constant 0 : i32
      %dma_start3A_27 = arith.constant 0 : i32
      %dma_start3A_28 = tpu.memref_slice %arg6[%arg0, %dma_start3A_26, %dma_start3A_27] : memref<2x10000x128xf32, #tpu.memory_space<hbm>> -> memref<1x10000x128xf32, #tpu.memory_space<hbm>>
      %dma_start3A_29 = tpu.memref_squeeze %dma_start3A_28 : memref<1x10000x128xf32, #tpu.memory_space<hbm>> -> memref<10000x128xf32, #tpu.memory_space<hbm>>
      %dma_start3A_30 = arith.constant 0 : i32
      %dma_start3A_31 = tpu.memref_slice %dma_start3A_29[%mul3A_22, %dma_start3A_30] : memref<10000x128xf32, #tpu.memory_space<hbm>> -> memref<624x128xf32, #tpu.memory_space<hbm>>
      %dma_start3A_32 = arith.constant 0 : i32
      %dma_start3A_33 = tpu.memref_slice %arg11[%mul3A_20, %dma_start3A_32] : memref<10240x128xf32, #tpu.memory_space<vmem_shared>> -> memref<624x128xf32, #tpu.memory_space<vmem_shared>>
      tpu.enqueue_dma source(%dma_start3A_33 : memref<624x128xf32, #tpu.memory_space<vmem_shared>>) target(%dma_start3A_31 : memref<624x128xf32, #tpu.memory_space<hbm>>) target_semaphore(%run_scoped3A_25 : memref<!tpu.dma_semaphore, #tpu.memory_space<semaphore_mem>>)
      %dma_wait3A_34 = arith.constant 0 : i32
      %dma_wait3A_35 = arith.constant 0 : i32
      %dma_wait3A_36 = tpu.memref_slice %arg6[%arg0, %dma_wait3A_34, %dma_wait3A_35] : memref<2x10000x128xf32, #tpu.memory_space<hbm>> -> memref<1x10000x128xf32, #tpu.memory_space<hbm>>
      %dma_wait3A_37 = tpu.memref_squeeze %dma_wait3A_36 : memref<1x10000x128xf32, #tpu.memory_space<hbm>> -> memref<10000x128xf32, #tpu.memory_space<hbm>>
      %dma_wait3A_38 = arith.constant 0 : i32
      %dma_wait3A_39 = tpu.memref_slice %dma_wait3A_37[%mul3A_22, %dma_wait3A_38] : memref<10000x128xf32, #tpu.memory_space<hbm>> -> memref<624x128xf32, #tpu.memory_space<hbm>>
      %dma_wait3A_40 = arith.constant 0 : i32
      %dma_wait3A_41 = tpu.memref_slice %arg11[%mul3A_20, %dma_wait3A_40] : memref<10240x128xf32, #tpu.memory_space<vmem_shared>> -> memref<624x128xf32, #tpu.memory_space<vmem_shared>>
      tpu.wait_dma2 semaphore(%run_scoped3A_25 : memref<!tpu.dma_semaphore, #tpu.memory_space<semaphore_mem>>) src(%dma_wait3A_41 : memref<624x128xf32, #tpu.memory_space<vmem_shared>>) dst(%dma_wait3A_39 : memref<624x128xf32, #tpu.memory_space<hbm>>)
      tpu.yield
    }) : () -> ()
    %eq3A = arith.constant 15 : i32
    %eq3A_23 = arith.cmpi eq, %arg1, %eq3A : i32
    %convert_element_type3A = arith.extui %eq3A_23 : i1 to i32
    %cond3A = arith.constant 0 : i32
    %cond3A_24 = arith.cmpi ne, %convert_element_type3A, %cond3A : i32
    scf.if %cond3A_24 {
      "tpu.region"() ({
        %run_scoped3A_25 = tpu.sem_alloc : memref<!tpu.dma_semaphore, #tpu.memory_space<semaphore_mem>>
        %dma_start3A_26 = arith.constant 0 : i32
        %dma_start3A_27 = arith.constant 0 : i32
        %dma_start3A_28 = tpu.memref_slice %arg6[%arg0, %dma_start3A_26, %dma_start3A_27] : memref<2x10000x128xf32, #tpu.memory_space<hbm>> -> memref<1x10000x128xf32, #tpu.memory_space<hbm>>
        %dma_start3A_29 = tpu.memref_squeeze %dma_start3A_28 : memref<1x10000x128xf32, #tpu.memory_space<hbm>> -> memref<10000x128xf32, #tpu.memory_space<hbm>>
        %dma_start3A_30 = arith.constant 9984 : i32
        %dma_start3A_31 = arith.constant 0 : i32
        %dma_start3A_32 = tpu.memref_slice %dma_start3A_29[%dma_start3A_30, %dma_start3A_31] : memref<10000x128xf32, #tpu.memory_space<hbm>> -> memref<16x128xf32, #tpu.memory_space<hbm>>
        %dma_start3A_33 = arith.constant 9984 : i32
        %dma_start3A_34 = arith.constant 0 : i32
        %dma_start3A_35 = tpu.memref_slice %arg11[%dma_start3A_33, %dma_start3A_34] : memref<10240x128xf32, #tpu.memory_space<vmem_shared>> -> memref<16x128xf32, #tpu.memory_space<vmem_shared>>
        tpu.enqueue_dma source(%dma_start3A_35 : memref<16x128xf32, #tpu.memory_space<vmem_shared>>) target(%dma_start3A_32 : memref<16x128xf32, #tpu.memory_space<hbm>>) target_semaphore(%run_scoped3A_25 : memref<!tpu.dma_semaphore, #tpu.memory_space<semaphore_mem>>)
        %dma_wait3A_36 = arith.constant 0 : i32
        %dma_wait3A_37 = arith.constant 0 : i32
        %dma_wait3A_38 = tpu.memref_slice %arg6[%arg0, %dma_wait3A_36, %dma_wait3A_37] : memref<2x10000x128xf32, #tpu.memory_space<hbm>> -> memref<1x10000x128xf32, #tpu.memory_space<hbm>>
        %dma_wait3A_39 = tpu.memref_squeeze %dma_wait3A_38 : memref<1x10000x128xf32, #tpu.memory_space<hbm>> -> memref<10000x128xf32, #tpu.memory_space<hbm>>
        %dma_wait3A_40 = arith.constant 9984 : i32
        %dma_wait3A_41 = arith.constant 0 : i32
        %dma_wait3A_42 = tpu.memref_slice %dma_wait3A_39[%dma_wait3A_40, %dma_wait3A_41] : memref<10000x128xf32, #tpu.memory_space<hbm>> -> memref<16x128xf32, #tpu.memory_space<hbm>>
        %dma_wait3A_43 = arith.constant 9984 : i32
        %dma_wait3A_44 = arith.constant 0 : i32
        %dma_wait3A_45 = tpu.memref_slice %arg11[%dma_wait3A_43, %dma_wait3A_44] : memref<10240x128xf32, #tpu.memory_space<vmem_shared>> -> memref<16x128xf32, #tpu.memory_space<vmem_shared>>
        tpu.wait_dma2 semaphore(%run_scoped3A_25 : memref<!tpu.dma_semaphore, #tpu.memory_space<semaphore_mem>>) src(%dma_wait3A_45 : memref<16x128xf32, #tpu.memory_space<vmem_shared>>) dst(%dma_wait3A_42 : memref<16x128xf32, #tpu.memory_space<hbm>>)
        tpu.yield
      }) : () -> ()
    } else {
    }
    return
  }
}

#map = affine_map<(d0, d1) -> (0, 0)>
#map1 = affine_map<(d0, d1) -> (0, 0, 0)>
module attributes {stable_mosaic.version = 14 : i64} {
  func.func @_scat_body(%arg0: i32, %arg1: i32, %arg2: memref<10000x128xf32, #tpu.memory_space<hbm>>, %arg3: memref<32x10000xi32, #tpu.memory_space<hbm>>, %arg4: memref<32x125x80xi32, #tpu.memory_space<hbm>>, %arg5: memref<80x128xf32, #tpu.memory_space<hbm>>, %arg6: memref<2x10000x128xf32, #tpu.memory_space<hbm>>, %arg7: memref<10000xi32, #tpu.memory_space<vmem>>, %arg8: memref<125x80xi32, #tpu.memory_space<vmem>>, %arg9: memref<80x128xf32, #tpu.memory_space<vmem>>, %arg10: memref<80x128xf32, #tpu.memory_space<vmem>>, %arg11: memref<10240x128xf32, #tpu.memory_space<vmem_shared>>, %arg12: memref<!tpu.dma_semaphore, #tpu.memory_space<semaphore_mem>>, %arg13: memref<!tpu.dma_semaphore, #tpu.memory_space<semaphore_mem>>) attributes {dimension_semantics = [#tpu.dimension_semantics<core_parallel>, #tpu.dimension_semantics<subcore_parallel>], iteration_bounds = array<i64: 2, 16>, scalar_prefetch = 0 : i64, scratch_operands = 7 : i64, tpu.core_type = #tpu.core_type<sc_vector_subcore>, window_params = [{transform_indices = #map}, {transform_indices = #map}, {transform_indices = #map1}, {transform_indices = #map}, {transform_indices = #map1}]} {
    %mul3A = arith.constant 2 : i32
    %mul3A_0 = arith.muli %arg1, %mul3A : i32
    %add3A = arith.addi %mul3A_0, %arg0 : i32
    "tpu.region"() ({
      %run_scoped3A_25 = tpu.sem_alloc : memref<!tpu.dma_semaphore, #tpu.memory_space<semaphore_mem>>
      %dma_start3A_26 = arith.constant 0 : i32
      %dma_start3A_27 = tpu.memref_slice %arg3[%add3A, %dma_start3A_26] : memref<32x10000xi32, #tpu.memory_space<hbm>> -> memref<1x10000xi32, #tpu.memory_space<hbm>>
      %dma_start3A_28 = tpu.memref_squeeze %dma_start3A_27 : memref<1x10000xi32, #tpu.memory_space<hbm>> -> memref<10000xi32, #tpu.memory_space<hbm>>
      %dma_start3A_29 = arith.constant 0 : i32
      %dma_start3A_30 = tpu.memref_slice %arg3[%add3A, %dma_start3A_29] : memref<32x10000xi32, #tpu.memory_space<hbm>> -> memref<1x10000xi32, #tpu.memory_space<hbm>>
      %dma_start3A_31 = tpu.memref_squeeze %dma_start3A_30 : memref<1x10000xi32, #tpu.memory_space<hbm>> -> memref<10000xi32, #tpu.memory_space<hbm>>
      tpu.enqueue_dma source(%dma_start3A_31 : memref<10000xi32, #tpu.memory_space<hbm>>) target(%arg7 : memref<10000xi32, #tpu.memory_space<vmem>>) target_semaphore(%run_scoped3A_25 : memref<!tpu.dma_semaphore, #tpu.memory_space<semaphore_mem>>)
      %dma_wait3A_32 = arith.constant 0 : i32
      %dma_wait3A_33 = tpu.memref_slice %arg3[%add3A, %dma_wait3A_32] : memref<32x10000xi32, #tpu.memory_space<hbm>> -> memref<1x10000xi32, #tpu.memory_space<hbm>>
      %dma_wait3A_34 = tpu.memref_squeeze %dma_wait3A_33 : memref<1x10000xi32, #tpu.memory_space<hbm>> -> memref<10000xi32, #tpu.memory_space<hbm>>
      %dma_wait3A_35 = arith.constant 0 : i32
      %dma_wait3A_36 = tpu.memref_slice %arg3[%add3A, %dma_wait3A_35] : memref<32x10000xi32, #tpu.memory_space<hbm>> -> memref<1x10000xi32, #tpu.memory_space<hbm>>
      %dma_wait3A_37 = tpu.memref_squeeze %dma_wait3A_36 : memref<1x10000xi32, #tpu.memory_space<hbm>> -> memref<10000xi32, #tpu.memory_space<hbm>>
      tpu.wait_dma2 semaphore(%run_scoped3A_25 : memref<!tpu.dma_semaphore, #tpu.memory_space<semaphore_mem>>) src(%dma_wait3A_37 : memref<10000xi32, #tpu.memory_space<hbm>>) dst(%arg7 : memref<10000xi32, #tpu.memory_space<vmem>>)
      tpu.yield
    }) : () -> ()
    "tpu.region"() ({
      %run_scoped3A_25 = tpu.sem_alloc : memref<!tpu.dma_semaphore, #tpu.memory_space<semaphore_mem>>
      %dma_start3A_26 = arith.constant 0 : i32
      %dma_start3A_27 = arith.constant 0 : i32
      %dma_start3A_28 = tpu.memref_slice %arg4[%add3A, %dma_start3A_26, %dma_start3A_27] : memref<32x125x80xi32, #tpu.memory_space<hbm>> -> memref<1x125x80xi32, #tpu.memory_space<hbm>>
      %dma_start3A_29 = tpu.memref_squeeze %dma_start3A_28 : memref<1x125x80xi32, #tpu.memory_space<hbm>> -> memref<125x80xi32, #tpu.memory_space<hbm>>
      %dma_start3A_30 = arith.constant 0 : i32
      %dma_start3A_31 = arith.constant 0 : i32
      %dma_start3A_32 = tpu.memref_slice %arg4[%add3A, %dma_start3A_30, %dma_start3A_31] : memref<32x125x80xi32, #tpu.memory_space<hbm>> -> memref<1x125x80xi32, #tpu.memory_space<hbm>>
      %dma_start3A_33 = tpu.memref_squeeze %dma_start3A_32 : memref<1x125x80xi32, #tpu.memory_space<hbm>> -> memref<125x80xi32, #tpu.memory_space<hbm>>
      tpu.enqueue_dma source(%dma_start3A_33 : memref<125x80xi32, #tpu.memory_space<hbm>>) target(%arg8 : memref<125x80xi32, #tpu.memory_space<vmem>>) target_semaphore(%run_scoped3A_25 : memref<!tpu.dma_semaphore, #tpu.memory_space<semaphore_mem>>)
      %dma_wait3A_34 = arith.constant 0 : i32
      %dma_wait3A_35 = arith.constant 0 : i32
      %dma_wait3A_36 = tpu.memref_slice %arg4[%add3A, %dma_wait3A_34, %dma_wait3A_35] : memref<32x125x80xi32, #tpu.memory_space<hbm>> -> memref<1x125x80xi32, #tpu.memory_space<hbm>>
      %dma_wait3A_37 = tpu.memref_squeeze %dma_wait3A_36 : memref<1x125x80xi32, #tpu.memory_space<hbm>> -> memref<125x80xi32, #tpu.memory_space<hbm>>
      %dma_wait3A_38 = arith.constant 0 : i32
      %dma_wait3A_39 = arith.constant 0 : i32
      %dma_wait3A_40 = tpu.memref_slice %arg4[%add3A, %dma_wait3A_38, %dma_wait3A_39] : memref<32x125x80xi32, #tpu.memory_space<hbm>> -> memref<1x125x80xi32, #tpu.memory_space<hbm>>
      %dma_wait3A_41 = tpu.memref_squeeze %dma_wait3A_40 : memref<1x125x80xi32, #tpu.memory_space<hbm>> -> memref<125x80xi32, #tpu.memory_space<hbm>>
      tpu.wait_dma2 semaphore(%run_scoped3A_25 : memref<!tpu.dma_semaphore, #tpu.memory_space<semaphore_mem>>) src(%dma_wait3A_41 : memref<125x80xi32, #tpu.memory_space<hbm>>) dst(%arg8 : memref<125x80xi32, #tpu.memory_space<vmem>>)
      tpu.yield
    }) : () -> ()
    "tpu.region"() ({
      %run_scoped3A_25 = tpu.sem_alloc : memref<!tpu.dma_semaphore, #tpu.memory_space<semaphore_mem>>
      tpu.enqueue_dma source(%arg5 : memref<80x128xf32, #tpu.memory_space<hbm>>) target(%arg9 : memref<80x128xf32, #tpu.memory_space<vmem>>) target_semaphore(%run_scoped3A_25 : memref<!tpu.dma_semaphore, #tpu.memory_space<semaphore_mem>>)
      tpu.wait_dma2 semaphore(%run_scoped3A_25 : memref<!tpu.dma_semaphore, #tpu.memory_space<semaphore_mem>>) src(%arg5 : memref<80x128xf32, #tpu.memory_space<hbm>>) dst(%arg9 : memref<80x128xf32, #tpu.memory_space<vmem>>)
      tpu.yield
    }) : () -> ()
    %scan3A = arith.constant 0 : i32
    %scan3A_1 = arith.constant 8 : i32
    %scan3A_2 = arith.addi %scan3A, %scan3A_1 : i32
    %scan3A_3 = arith.constant 1 : i32
    scf.for %scan3A_25 = %scan3A to %scan3A_2 step %scan3A_3  : i32 {
      %mul3A_26 = arith.constant 640 : i32
      %mul3A_27 = arith.muli %arg1, %mul3A_26 : i32
      %mul3A_28 = arith.constant 80 : i32
      %mul3A_29 = arith.muli %scan3A_25, %mul3A_28 : i32
      %add3A_30 = arith.addi %mul3A_27, %mul3A_29 : i32
      "tpu.region"() ({
        %run_scoped3A_31 = tpu.sem_alloc : memref<!tpu.dma_semaphore, #tpu.memory_space<semaphore_mem>>
        %dma_start3A_32 = arith.constant 0 : i32
        %dma_start3A_33 = tpu.memref_slice %arg11[%add3A_30, %dma_start3A_32] : memref<10240x128xf32, #tpu.memory_space<vmem_shared>> -> memref<80x128xf32, #tpu.memory_space<vmem_shared>>
        %dma_start3A_34 = arith.constant 0 : i32
        %dma_start3A_35 = tpu.memref_slice %arg11[%add3A_30, %dma_start3A_34] : memref<10240x128xf32, #tpu.memory_space<vmem_shared>> -> memref<80x128xf32, #tpu.memory_space<vmem_shared>>
        tpu.enqueue_dma source(%arg9 : memref<80x128xf32, #tpu.memory_space<vmem>>) target(%dma_start3A_35 : memref<80x128xf32, #tpu.memory_space<vmem_shared>>) target_semaphore(%run_scoped3A_31 : memref<!tpu.dma_semaphore, #tpu.memory_space<semaphore_mem>>)
        %dma_wait3A_36 = arith.constant 0 : i32
        %dma_wait3A_37 = tpu.memref_slice %arg11[%add3A_30, %dma_wait3A_36] : memref<10240x128xf32, #tpu.memory_space<vmem_shared>> -> memref<80x128xf32, #tpu.memory_space<vmem_shared>>
        %dma_wait3A_38 = arith.constant 0 : i32
        %dma_wait3A_39 = tpu.memref_slice %arg11[%add3A_30, %dma_wait3A_38] : memref<10240x128xf32, #tpu.memory_space<vmem_shared>> -> memref<80x128xf32, #tpu.memory_space<vmem_shared>>
        tpu.wait_dma2 semaphore(%run_scoped3A_31 : memref<!tpu.dma_semaphore, #tpu.memory_space<semaphore_mem>>) src(%arg9 : memref<80x128xf32, #tpu.memory_space<vmem>>) dst(%dma_wait3A_39 : memref<80x128xf32, #tpu.memory_space<vmem_shared>>)
        tpu.yield
      }) : () -> ()
    }
    %scan3A_4 = arith.constant 8 : i32
    %barrier3A = arith.constant 0 : index
    tpu.barrier barrier_id(%barrier3A)
    %dma_start3A = arith.constant 0 : i32
    %dma_start3A_5 = tpu.memref_slice %arg7[%dma_start3A] : memref<10000xi32, #tpu.memory_space<vmem>> -> memref<80xi32, #tpu.memory_space<vmem>>
    %dma_start3A_6 = arith.constant 0 : i32
    %dma_start3A_7 = arith.constant 0 : i32
    %dma_start3A_8 = tpu.memref_slice %arg2[%dma_start3A_6, %dma_start3A_7] : memref<10000x128xf32, #tpu.memory_space<hbm>> -> memref<10000x128xf32, #tpu.memory_space<hbm>>
    tpu.enqueue_indirect_dma source(%dma_start3A_8 : memref<10000x128xf32, #tpu.memory_space<hbm>>) target(%arg9 : memref<80x128xf32, #tpu.memory_space<vmem>>) offsets(%dma_start3A_5 : memref<80xi32, #tpu.memory_space<vmem>>) semaphore(%arg12 : memref<!tpu.dma_semaphore, #tpu.memory_space<semaphore_mem>>)
    %scan3A_9 = arith.constant 0 : i32
    %scan3A_10 = arith.constant 62 : i32
    %scan3A_11 = arith.addi %scan3A_9, %scan3A_10 : i32
    %scan3A_12 = arith.constant 1 : i32
    scf.for %scan3A_25 = %scan3A_9 to %scan3A_11 step %scan3A_12  : i32 {
      %mul3A_26 = arith.constant 2 : i32
      %mul3A_27 = arith.muli %mul3A_26, %scan3A_25 : i32
      %mul3A_28 = arith.constant 80 : i32
      %mul3A_29 = arith.muli %mul3A_27, %mul3A_28 : i32
      %dma_wait3A_30 = tpu.memref_slice %arg7[%mul3A_29] : memref<10000xi32, #tpu.memory_space<vmem>> -> memref<80xi32, #tpu.memory_space<vmem>>
      %dma_wait3A_31 = arith.constant 0 : i32
      %dma_wait3A_32 = arith.constant 0 : i32
      %dma_wait3A_33 = tpu.memref_slice %arg2[%dma_wait3A_31, %dma_wait3A_32] : memref<10000x128xf32, #tpu.memory_space<hbm>> -> memref<10000x128xf32, #tpu.memory_space<hbm>>
      tpu.wait_indirect_dma semaphore(%arg12 : memref<!tpu.dma_semaphore, #tpu.memory_space<semaphore_mem>>) src(%dma_wait3A_33 : memref<10000x128xf32, #tpu.memory_space<hbm>>) dst(%arg9 : memref<80x128xf32, #tpu.memory_space<vmem>>)
      %add3A_34 = arith.constant 1 : i32
      %add3A_35 = arith.addi %mul3A_27, %add3A_34 : i32
      %mul3A_36 = arith.constant 80 : i32
      %mul3A_37 = arith.muli %add3A_35, %mul3A_36 : i32
      %dma_start3A_38 = tpu.memref_slice %arg7[%mul3A_37] : memref<10000xi32, #tpu.memory_space<vmem>> -> memref<80xi32, #tpu.memory_space<vmem>>
      %dma_start3A_39 = arith.constant 0 : i32
      %dma_start3A_40 = arith.constant 0 : i32
      %dma_start3A_41 = tpu.memref_slice %arg2[%dma_start3A_39, %dma_start3A_40] : memref<10000x128xf32, #tpu.memory_space<hbm>> -> memref<10000x128xf32, #tpu.memory_space<hbm>>
      tpu.enqueue_indirect_dma source(%dma_start3A_41 : memref<10000x128xf32, #tpu.memory_space<hbm>>) target(%arg10 : memref<80x128xf32, #tpu.memory_space<vmem>>) offsets(%dma_start3A_38 : memref<80xi32, #tpu.memory_space<vmem>>) semaphore(%arg13 : memref<!tpu.dma_semaphore, #tpu.memory_space<semaphore_mem>>)
      "tpu.region"() ({
        %run_scoped3A_60 = tpu.sem_alloc : memref<!tpu.dma_semaphore, #tpu.memory_space<semaphore_mem>>
        %dma_start3A_61 = arith.constant 0 : i32
        %dma_start3A_62 = tpu.memref_slice %arg8[%mul3A_27, %dma_start3A_61] : memref<125x80xi32, #tpu.memory_space<vmem>> -> memref<1x80xi32, #tpu.memory_space<vmem>>
        %dma_start3A_63 = tpu.memref_squeeze %dma_start3A_62 : memref<1x80xi32, #tpu.memory_space<vmem>> -> memref<80xi32, #tpu.memory_space<vmem>>
        %dma_start3A_64 = arith.constant 0 : i32
        %dma_start3A_65 = arith.constant 0 : i32
        %dma_start3A_66 = tpu.memref_slice %arg11[%dma_start3A_64, %dma_start3A_65] : memref<10240x128xf32, #tpu.memory_space<vmem_shared>> -> memref<10240x128xf32, #tpu.memory_space<vmem_shared>>
        tpu.enqueue_indirect_dma source(%arg9 : memref<80x128xf32, #tpu.memory_space<vmem>>) target(%dma_start3A_66 : memref<10240x128xf32, #tpu.memory_space<vmem_shared>>) offsets(%dma_start3A_63 : memref<80xi32, #tpu.memory_space<vmem>>) semaphore(%run_scoped3A_60 : memref<!tpu.dma_semaphore, #tpu.memory_space<semaphore_mem>>) {add = true}
        %dma_wait3A_67 = arith.constant 0 : i32
        %dma_wait3A_68 = tpu.memref_slice %arg8[%mul3A_27, %dma_wait3A_67] : memref<125x80xi32, #tpu.memory_space<vmem>> -> memref<1x80xi32, #tpu.memory_space<vmem>>
        %dma_wait3A_69 = tpu.memref_squeeze %dma_wait3A_68 : memref<1x80xi32, #tpu.memory_space<vmem>> -> memref<80xi32, #tpu.memory_space<vmem>>
        %dma_wait3A_70 = arith.constant 0 : i32
        %dma_wait3A_71 = arith.constant 0 : i32
        %dma_wait3A_72 = tpu.memref_slice %arg11[%dma_wait3A_70, %dma_wait3A_71] : memref<10240x128xf32, #tpu.memory_space<vmem_shared>> -> memref<10240x128xf32, #tpu.memory_space<vmem_shared>>
        tpu.wait_indirect_dma semaphore(%run_scoped3A_60 : memref<!tpu.dma_semaphore, #tpu.memory_space<semaphore_mem>>) src(%arg9 : memref<80x128xf32, #tpu.memory_space<vmem>>) dst(%dma_wait3A_72 : memref<10240x128xf32, #tpu.memory_space<vmem_shared>>)
        tpu.yield
      }) : () -> ()
      %add3A_42 = arith.constant 1 : i32
      %add3A_43 = arith.addi %mul3A_27, %add3A_42 : i32
      %mul3A_44 = arith.constant 80 : i32
      %mul3A_45 = arith.muli %add3A_43, %mul3A_44 : i32
      %dma_wait3A_46 = tpu.memref_slice %arg7[%mul3A_45] : memref<10000xi32, #tpu.memory_space<vmem>> -> memref<80xi32, #tpu.memory_space<vmem>>
      %dma_wait3A_47 = arith.constant 0 : i32
      %dma_wait3A_48 = arith.constant 0 : i32
      %dma_wait3A_49 = tpu.memref_slice %arg2[%dma_wait3A_47, %dma_wait3A_48] : memref<10000x128xf32, #tpu.memory_space<hbm>> -> memref<10000x128xf32, #tpu.memory_space<hbm>>
      tpu.wait_indirect_dma semaphore(%arg13 : memref<!tpu.dma_semaphore, #tpu.memory_space<semaphore_mem>>) src(%dma_wait3A_49 : memref<10000x128xf32, #tpu.memory_space<hbm>>) dst(%arg10 : memref<80x128xf32, #tpu.memory_space<vmem>>)
      %add3A_50 = arith.constant 2 : i32
      %add3A_51 = arith.addi %mul3A_27, %add3A_50 : i32
      %mul3A_52 = arith.constant 80 : i32
      %mul3A_53 = arith.muli %add3A_51, %mul3A_52 : i32
      %dma_start3A_54 = tpu.memref_slice %arg7[%mul3A_53] : memref<10000xi32, #tpu.memory_space<vmem>> -> memref<80xi32, #tpu.memory_space<vmem>>
      %dma_start3A_55 = arith.constant 0 : i32
      %dma_start3A_56 = arith.constant 0 : i32
      %dma_start3A_57 = tpu.memref_slice %arg2[%dma_start3A_55, %dma_start3A_56] : memref<10000x128xf32, #tpu.memory_space<hbm>> -> memref<10000x128xf32, #tpu.memory_space<hbm>>
      tpu.enqueue_indirect_dma source(%dma_start3A_57 : memref<10000x128xf32, #tpu.memory_space<hbm>>) target(%arg9 : memref<80x128xf32, #tpu.memory_space<vmem>>) offsets(%dma_start3A_54 : memref<80xi32, #tpu.memory_space<vmem>>) semaphore(%arg12 : memref<!tpu.dma_semaphore, #tpu.memory_space<semaphore_mem>>)
      %add3A_58 = arith.constant 1 : i32
      %add3A_59 = arith.addi %mul3A_27, %add3A_58 : i32
      "tpu.region"() ({
        %run_scoped3A_60 = tpu.sem_alloc : memref<!tpu.dma_semaphore, #tpu.memory_space<semaphore_mem>>
        %dma_start3A_61 = arith.constant 0 : i32
        %dma_start3A_62 = tpu.memref_slice %arg8[%add3A_59, %dma_start3A_61] : memref<125x80xi32, #tpu.memory_space<vmem>> -> memref<1x80xi32, #tpu.memory_space<vmem>>
        %dma_start3A_63 = tpu.memref_squeeze %dma_start3A_62 : memref<1x80xi32, #tpu.memory_space<vmem>> -> memref<80xi32, #tpu.memory_space<vmem>>
        %dma_start3A_64 = arith.constant 0 : i32
        %dma_start3A_65 = arith.constant 0 : i32
        %dma_start3A_66 = tpu.memref_slice %arg11[%dma_start3A_64, %dma_start3A_65] : memref<10240x128xf32, #tpu.memory_space<vmem_shared>> -> memref<10240x128xf32, #tpu.memory_space<vmem_shared>>
        tpu.enqueue_indirect_dma source(%arg10 : memref<80x128xf32, #tpu.memory_space<vmem>>) target(%dma_start3A_66 : memref<10240x128xf32, #tpu.memory_space<vmem_shared>>) offsets(%dma_start3A_63 : memref<80xi32, #tpu.memory_space<vmem>>) semaphore(%run_scoped3A_60 : memref<!tpu.dma_semaphore, #tpu.memory_space<semaphore_mem>>) {add = true}
        %dma_wait3A_67 = arith.constant 0 : i32
        %dma_wait3A_68 = tpu.memref_slice %arg8[%add3A_59, %dma_wait3A_67] : memref<125x80xi32, #tpu.memory_space<vmem>> -> memref<1x80xi32, #tpu.memory_space<vmem>>
        %dma_wait3A_69 = tpu.memref_squeeze %dma_wait3A_68 : memref<1x80xi32, #tpu.memory_space<vmem>> -> memref<80xi32, #tpu.memory_space<vmem>>
        %dma_wait3A_70 = arith.constant 0 : i32
        %dma_wait3A_71 = arith.constant 0 : i32
        %dma_wait3A_72 = tpu.memref_slice %arg11[%dma_wait3A_70, %dma_wait3A_71] : memref<10240x128xf32, #tpu.memory_space<vmem_shared>> -> memref<10240x128xf32, #tpu.memory_space<vmem_shared>>
        tpu.wait_indirect_dma semaphore(%run_scoped3A_60 : memref<!tpu.dma_semaphore, #tpu.memory_space<semaphore_mem>>) src(%arg10 : memref<80x128xf32, #tpu.memory_space<vmem>>) dst(%dma_wait3A_72 : memref<10240x128xf32, #tpu.memory_space<vmem_shared>>)
        tpu.yield
      }) : () -> ()
    }
    %scan3A_13 = arith.constant 62 : i32
    %dma_wait3A = arith.constant 9920 : i32
    %dma_wait3A_14 = tpu.memref_slice %arg7[%dma_wait3A] : memref<10000xi32, #tpu.memory_space<vmem>> -> memref<80xi32, #tpu.memory_space<vmem>>
    %dma_wait3A_15 = arith.constant 0 : i32
    %dma_wait3A_16 = arith.constant 0 : i32
    %dma_wait3A_17 = tpu.memref_slice %arg2[%dma_wait3A_15, %dma_wait3A_16] : memref<10000x128xf32, #tpu.memory_space<hbm>> -> memref<10000x128xf32, #tpu.memory_space<hbm>>
    tpu.wait_indirect_dma semaphore(%arg12 : memref<!tpu.dma_semaphore, #tpu.memory_space<semaphore_mem>>) src(%dma_wait3A_17 : memref<10000x128xf32, #tpu.memory_space<hbm>>) dst(%arg9 : memref<80x128xf32, #tpu.memory_space<vmem>>)
    %run_scoped3A = arith.constant 124 : i32
    "tpu.region"() ({
      %run_scoped3A_25 = tpu.sem_alloc : memref<!tpu.dma_semaphore, #tpu.memory_space<semaphore_mem>>
      %dma_start3A_26 = arith.constant 0 : i32
      %dma_start3A_27 = tpu.memref_slice %arg8[%run_scoped3A, %dma_start3A_26] : memref<125x80xi32, #tpu.memory_space<vmem>> -> memref<1x80xi32, #tpu.memory_space<vmem>>
      %dma_start3A_28 = tpu.memref_squeeze %dma_start3A_27 : memref<1x80xi32, #tpu.memory_space<vmem>> -> memref<80xi32, #tpu.memory_space<vmem>>
      %dma_start3A_29 = arith.constant 0 : i32
      %dma_start3A_30 = arith.constant 0 : i32
      %dma_start3A_31 = tpu.memref_slice %arg11[%dma_start3A_29, %dma_start3A_30] : memref<10240x128xf32, #tpu.memory_space<vmem_shared>> -> memref<10240x128xf32, #tpu.memory_space<vmem_shared>>
      tpu.enqueue_indirect_dma source(%arg9 : memref<80x128xf32, #tpu.memory_space<vmem>>) target(%dma_start3A_31 : memref<10240x128xf32, #tpu.memory_space<vmem_shared>>) offsets(%dma_start3A_28 : memref<80xi32, #tpu.memory_space<vmem>>) semaphore(%run_scoped3A_25 : memref<!tpu.dma_semaphore, #tpu.memory_space<semaphore_mem>>) {add = true}
      %dma_wait3A_32 = arith.constant 0 : i32
      %dma_wait3A_33 = tpu.memref_slice %arg8[%run_scoped3A, %dma_wait3A_32] : memref<125x80xi32, #tpu.memory_space<vmem>> -> memref<1x80xi32, #tpu.memory_space<vmem>>
      %dma_wait3A_34 = tpu.memref_squeeze %dma_wait3A_33 : memref<1x80xi32, #tpu.memory_space<vmem>> -> memref<80xi32, #tpu.memory_space<vmem>>
      %dma_wait3A_35 = arith.constant 0 : i32
      %dma_wait3A_36 = arith.constant 0 : i32
      %dma_wait3A_37 = tpu.memref_slice %arg11[%dma_wait3A_35, %dma_wait3A_36] : memref<10240x128xf32, #tpu.memory_space<vmem_shared>> -> memref<10240x128xf32, #tpu.memory_space<vmem_shared>>
      tpu.wait_indirect_dma semaphore(%run_scoped3A_25 : memref<!tpu.dma_semaphore, #tpu.memory_space<semaphore_mem>>) src(%arg9 : memref<80x128xf32, #tpu.memory_space<vmem>>) dst(%dma_wait3A_37 : memref<10240x128xf32, #tpu.memory_space<vmem_shared>>)
      tpu.yield
    }) : () -> ()
    %barrier3A_18 = arith.constant 0 : index
    tpu.barrier barrier_id(%barrier3A_18)
    %mul3A_19 = arith.constant 624 : i32
    %mul3A_20 = arith.muli %arg1, %mul3A_19 : i32
    %mul3A_21 = arith.constant 624 : i32
    %mul3A_22 = arith.muli %arg1, %mul3A_21 : i32
    "tpu.region"() ({
      %run_scoped3A_25 = tpu.sem_alloc : memref<!tpu.dma_semaphore, #tpu.memory_space<semaphore_mem>>
      %dma_start3A_26 = arith.constant 0 : i32
      %dma_start3A_27 = arith.constant 0 : i32
      %dma_start3A_28 = tpu.memref_slice %arg6[%arg0, %dma_start3A_26, %dma_start3A_27] : memref<2x10000x128xf32, #tpu.memory_space<hbm>> -> memref<1x10000x128xf32, #tpu.memory_space<hbm>>
      %dma_start3A_29 = tpu.memref_squeeze %dma_start3A_28 : memref<1x10000x128xf32, #tpu.memory_space<hbm>> -> memref<10000x128xf32, #tpu.memory_space<hbm>>
      %dma_start3A_30 = arith.constant 0 : i32
      %dma_start3A_31 = tpu.memref_slice %dma_start3A_29[%mul3A_22, %dma_start3A_30] : memref<10000x128xf32, #tpu.memory_space<hbm>> -> memref<624x128xf32, #tpu.memory_space<hbm>>
      %dma_start3A_32 = arith.constant 0 : i32
      %dma_start3A_33 = tpu.memref_slice %arg11[%mul3A_20, %dma_start3A_32] : memref<10240x128xf32, #tpu.memory_space<vmem_shared>> -> memref<624x128xf32, #tpu.memory_space<vmem_shared>>
      tpu.enqueue_dma source(%dma_start3A_33 : memref<624x128xf32, #tpu.memory_space<vmem_shared>>) target(%dma_start3A_31 : memref<624x128xf32, #tpu.memory_space<hbm>>) target_semaphore(%run_scoped3A_25 : memref<!tpu.dma_semaphore, #tpu.memory_space<semaphore_mem>>)
      %dma_wait3A_34 = arith.constant 0 : i32
      %dma_wait3A_35 = arith.constant 0 : i32
      %dma_wait3A_36 = tpu.memref_slice %arg6[%arg0, %dma_wait3A_34, %dma_wait3A_35] : memref<2x10000x128xf32, #tpu.memory_space<hbm>> -> memref<1x10000x128xf32, #tpu.memory_space<hbm>>
      %dma_wait3A_37 = tpu.memref_squeeze %dma_wait3A_36 : memref<1x10000x128xf32, #tpu.memory_space<hbm>> -> memref<10000x128xf32, #tpu.memory_space<hbm>>
      %dma_wait3A_38 = arith.constant 0 : i32
      %dma_wait3A_39 = tpu.memref_slice %dma_wait3A_37[%mul3A_22, %dma_wait3A_38] : memref<10000x128xf32, #tpu.memory_space<hbm>> -> memref<624x128xf32, #tpu.memory_space<hbm>>
      %dma_wait3A_40 = arith.constant 0 : i32
      %dma_wait3A_41 = tpu.memref_slice %arg11[%mul3A_20, %dma_wait3A_40] : memref<10240x128xf32, #tpu.memory_space<vmem_shared>> -> memref<624x128xf32, #tpu.memory_space<vmem_shared>>
      tpu.wait_dma2 semaphore(%run_scoped3A_25 : memref<!tpu.dma_semaphore, #tpu.memory_space<semaphore_mem>>) src(%dma_wait3A_41 : memref<624x128xf32, #tpu.memory_space<vmem_shared>>) dst(%dma_wait3A_39 : memref<624x128xf32, #tpu.memory_space<hbm>>)
      tpu.yield
    }) : () -> ()
    %eq3A = arith.constant 15 : i32
    %eq3A_23 = arith.cmpi eq, %arg1, %eq3A : i32
    %convert_element_type3A = arith.extui %eq3A_23 : i1 to i32
    %cond3A = arith.constant 0 : i32
    %cond3A_24 = arith.cmpi ne, %convert_element_type3A, %cond3A : i32
    scf.if %cond3A_24 {
      "tpu.region"() ({
        %run_scoped3A_25 = tpu.sem_alloc : memref<!tpu.dma_semaphore, #tpu.memory_space<semaphore_mem>>
        %dma_start3A_26 = arith.constant 0 : i32
        %dma_start3A_27 = arith.constant 0 : i32
        %dma_start3A_28 = tpu.memref_slice %arg6[%arg0, %dma_start3A_26, %dma_start3A_27] : memref<2x10000x128xf32, #tpu.memory_space<hbm>> -> memref<1x10000x128xf32, #tpu.memory_space<hbm>>
        %dma_start3A_29 = tpu.memref_squeeze %dma_start3A_28 : memref<1x10000x128xf32, #tpu.memory_space<hbm>> -> memref<10000x128xf32, #tpu.memory_space<hbm>>
        %dma_start3A_30 = arith.constant 9984 : i32
        %dma_start3A_31 = arith.constant 0 : i32
        %dma_start3A_32 = tpu.memref_slice %dma_start3A_29[%dma_start3A_30, %dma_start3A_31] : memref<10000x128xf32, #tpu.memory_space<hbm>> -> memref<16x128xf32, #tpu.memory_space<hbm>>
        %dma_start3A_33 = arith.constant 9984 : i32
        %dma_start3A_34 = arith.constant 0 : i32
        %dma_start3A_35 = tpu.memref_slice %arg11[%dma_start3A_33, %dma_start3A_34] : memref<10240x128xf32, #tpu.memory_space<vmem_shared>> -> memref<16x128xf32, #tpu.memory_space<vmem_shared>>
        tpu.enqueue_dma source(%dma_start3A_35 : memref<16x128xf32, #tpu.memory_space<vmem_shared>>) target(%dma_start3A_32 : memref<16x128xf32, #tpu.memory_space<hbm>>) target_semaphore(%run_scoped3A_25 : memref<!tpu.dma_semaphore, #tpu.memory_space<semaphore_mem>>)
        %dma_wait3A_36 = arith.constant 0 : i32
        %dma_wait3A_37 = arith.constant 0 : i32
        %dma_wait3A_38 = tpu.memref_slice %arg6[%arg0, %dma_wait3A_36, %dma_wait3A_37] : memref<2x10000x128xf32, #tpu.memory_space<hbm>> -> memref<1x10000x128xf32, #tpu.memory_space<hbm>>
        %dma_wait3A_39 = tpu.memref_squeeze %dma_wait3A_38 : memref<1x10000x128xf32, #tpu.memory_space<hbm>> -> memref<10000x128xf32, #tpu.memory_space<hbm>>
        %dma_wait3A_40 = arith.constant 9984 : i32
        %dma_wait3A_41 = arith.constant 0 : i32
        %dma_wait3A_42 = tpu.memref_slice %dma_wait3A_39[%dma_wait3A_40, %dma_wait3A_41] : memref<10000x128xf32, #tpu.memory_space<hbm>> -> memref<16x128xf32, #tpu.memory_space<hbm>>
        %dma_wait3A_43 = arith.constant 9984 : i32
        %dma_wait3A_44 = arith.constant 0 : i32
        %dma_wait3A_45 = tpu.memref_slice %arg11[%dma_wait3A_43, %dma_wait3A_44] : memref<10240x128xf32, #tpu.memory_space<vmem_shared>> -> memref<16x128xf32, #tpu.memory_space<vmem_shared>>
        tpu.wait_dma2 semaphore(%run_scoped3A_25 : memref<!tpu.dma_semaphore, #tpu.memory_space<semaphore_mem>>) src(%dma_wait3A_45 : memref<16x128xf32, #tpu.memory_space<vmem_shared>>) dst(%dma_wait3A_42 : memref<16x128xf32, #tpu.memory_space<hbm>>)
        tpu.yield
      }) : () -> ()
    } else {
    }
    return
  }
}

module attributes {stable_mosaic.version = 14 : i64} {
  func.func @_tc1_body(%arg0: i32, %arg1: memref<1000x128xf32, #tpu.memory_space<vmem>>, %arg2: memref<128x128xf32, #tpu.memory_space<vmem>>, %arg3: memref<2x1000x128xf32, #tpu.memory_space<vmem>>, %arg4: memref<1000x128xf32, #tpu.memory_space<vmem>>, %arg5: memref<1000x8xf32, #tpu.memory_space<vmem>>) attributes {dimension_semantics = [#tpu.dimension_semantics<arbitrary>], iteration_bounds = array<i64: 10>, scalar_prefetch = 0 : i64, scratch_operands = 0 : i64, tpu.core_type = #tpu.core_type<tc>, window_params = [{transform_indices = @transform_0, window_bounds = array<i64: 1000, 128>}, {pipeline_mode = #tpu.pipeline_mode<synchronous>, transform_indices = @transform_1, window_bounds = array<i64: 128, 128>}, {transform_indices = @transform_2, window_bounds = array<i64: 2, 1000, 128>}, {transform_indices = @transform_3, window_bounds = array<i64: 1000, 128>}, {transform_indices = @transform_4, window_bounds = array<i64: 1000, 8>}]} {
    %get3A = arith.constant 0 : index
    %get3A_0 = arith.constant 0 : index
    %get3A_1 = arith.constant 0 : index
    %get3A_2 = vector.load %arg3[%get3A, %get3A_0, %get3A_1] : memref<2x1000x128xf32, #tpu.memory_space<vmem>>, vector<1x1000x1xf32>
    %get3A_3 = vector.shape_cast %get3A_2 : vector<1x1000x1xf32> to vector<1000x1xf32>
    %get3A_4 = arith.constant 1 : index
    %get3A_5 = arith.constant 0 : index
    %get3A_6 = arith.constant 0 : index
    %get3A_7 = vector.load %arg3[%get3A_4, %get3A_5, %get3A_6] : memref<2x1000x128xf32, #tpu.memory_space<vmem>>, vector<1x1000x1xf32>
    %get3A_8 = vector.shape_cast %get3A_7 : vector<1x1000x1xf32> to vector<1000x1xf32>
    %add3A = arith.addf %get3A_3, %get3A_8 : vector<1000x1xf32>
    %add3A_9 = arith.constant 1.000000e+00 : f32
    %add3A_10 = vector.broadcast %add3A_9 : f32 to vector<1000x1xf32>
    %add3A_11 = arith.addf %add3A, %add3A_10 : vector<1000x1xf32>
    %rsqrt3A = math.rsqrt %add3A_11 : vector<1000x1xf32>
    %broadcast_in_dim3A = vector.shape_cast %rsqrt3A : vector<1000x1xf32> to vector<1000x1xf32>
    %broadcast_in_dim3A_12 = vector.broadcast %broadcast_in_dim3A : vector<1000x1xf32> to vector<1000x8xf32>
    %swap3A = arith.constant 0 : index
    %swap3A_13 = arith.constant 0 : index
    %swap3A_14 = vector.load %arg5[%swap3A, %swap3A_13] : memref<1000x8xf32, #tpu.memory_space<vmem>>, vector<1000x8xf32>
    tpu.vector_store %arg5[%swap3A, %swap3A_13], %broadcast_in_dim3A_12 {strides = array<i32>} : memref<1000x8xf32, #tpu.memory_space<vmem>>, vector<1000x8xf32>,
    %get3A_15 = arith.constant 0 : index
    %get3A_16 = arith.constant 0 : index
    %get3A_17 = vector.load %arg1[%get3A_15, %get3A_16] : memref<1000x128xf32, #tpu.memory_space<vmem>>, vector<1000x128xf32>
    %get3A_18 = arith.constant 0 : index
    %get3A_19 = arith.constant 0 : index
    %get3A_20 = vector.load %arg2[%get3A_18, %get3A_19] : memref<128x128xf32, #tpu.memory_space<vmem>>, vector<128x128xf32>
    %dot_general3A = arith.constant dense<0.000000e+00> : vector<1000x128xf32>
    %dot_general3A_21 = tpu.matmul %get3A_17, %get3A_20, %dot_general3A {dimension_numbers = #tpu.dot_dimension_numbers<[1], [0], [0], [1], [0, 0, 1, 1], [], []>, transpose_lhs_hint = false} : vector<1000x128xf32>, vector<128x128xf32>, vector<1000x128xf32> -> vector<1000x128xf32>
    %mul3A = vector.broadcast %rsqrt3A : vector<1000x1xf32> to vector<1000x128xf32>
    %mul3A_22 = arith.mulf %dot_general3A_21, %mul3A : vector<1000x128xf32>
    %swap3A_23 = arith.constant 0 : index
    %swap3A_24 = arith.constant 0 : index
    %swap3A_25 = vector.load %arg4[%swap3A_23, %swap3A_24] : memref<1000x128xf32, #tpu.memory_space<vmem>>, vector<1000x128xf32>
    tpu.vector_store %arg4[%swap3A_23, %swap3A_24], %mul3A_22 {strides = array<i32>} : memref<1000x128xf32, #tpu.memory_space<vmem>>, vector<1000x128xf32>,
    return
  }
  func.func @transform_0(%arg0: i32) -> (i32, i32) {
    %c0_i32 = arith.constant 0 : i32
    %c0_i32_0 = arith.constant 0 : i32
    return %arg0, %c0_i32 : i32, i32
  }
  func.func @transform_1(%arg0: i32) -> (i32, i32) {
    %c0_i32 = arith.constant 0 : i32
    %c0_i32_0 = arith.constant 0 : i32
    %c0_i32_1 = arith.constant 0 : i32
    return %c0_i32, %c0_i32_0 : i32, i32
  }
  func.func @transform_2(%arg0: i32) -> (i32, i32, i32) {
    %c0_i32 = arith.constant 0 : i32
    %c0_i32_0 = arith.constant 0 : i32
    %c0_i32_1 = arith.constant 0 : i32
    return %c0_i32, %arg0, %c0_i32_0 : i32, i32, i32
  }
  func.func @transform_3(%arg0: i32) -> (i32, i32) {
    %c0_i32 = arith.constant 0 : i32
    %c0_i32_0 = arith.constant 0 : i32
    return %arg0, %c0_i32 : i32, i32
  }
  func.func @transform_4(%arg0: i32) -> (i32, i32) {
    %c0_i32 = arith.constant 0 : i32
    %c0_i32_0 = arith.constant 0 : i32
    return %arg0, %c0_i32 : i32, i32
  }
}

module attributes {stable_mosaic.version = 14 : i64} {
  func.func @_tc_mid_body(%arg0: i32, %arg1: memref<2x1000x128xf32, #tpu.memory_space<vmem>>, %arg2: memref<1000x128xf32, #tpu.memory_space<vmem>>, %arg3: memref<1000x8xf32, #tpu.memory_space<vmem>>, %arg4: memref<1x128xf32, #tpu.memory_space<vmem>>, %arg5: memref<128x128xf32, #tpu.memory_space<vmem>>, %arg6: memref<1000x128xf32, #tpu.memory_space<vmem>>) attributes {dimension_semantics = [#tpu.dimension_semantics<arbitrary>], iteration_bounds = array<i64: 10>, scalar_prefetch = 0 : i64, scratch_operands = 0 : i64, tpu.core_type = #tpu.core_type<tc>, window_params = [{transform_indices = @transform_0, window_bounds = array<i64: 2, 1000, 128>}, {transform_indices = @transform_1, window_bounds = array<i64: 1000, 128>}, {transform_indices = @transform_2, window_bounds = array<i64: 1000, 8>}, {pipeline_mode = #tpu.pipeline_mode<synchronous>, transform_indices = @transform_3, window_bounds = array<i64: 1, 128>}, {pipeline_mode = #tpu.pipeline_mode<synchronous>, transform_indices = @transform_4, window_bounds = array<i64: 128, 128>}, {transform_indices = @transform_5, window_bounds = array<i64: 1000, 128>}]} {
    %get3A = arith.constant 0 : index
    %get3A_0 = arith.constant 0 : index
    %get3A_1 = vector.load %arg3[%get3A, %get3A_0] : memref<1000x8xf32, #tpu.memory_space<vmem>>, vector<1000x1xf32>
    %get3A_2 = arith.constant 0 : index
    %get3A_3 = arith.constant 0 : index
    %get3A_4 = arith.constant 0 : index
    %get3A_5 = vector.load %arg1[%get3A_2, %get3A_3, %get3A_4] : memref<2x1000x128xf32, #tpu.memory_space<vmem>>, vector<1x1000x128xf32>
    %get3A_6 = vector.shape_cast %get3A_5 : vector<1x1000x128xf32> to vector<1000x128xf32>
    %get3A_7 = arith.constant 1 : index
    %get3A_8 = arith.constant 0 : index
    %get3A_9 = arith.constant 0 : index
    %get3A_10 = vector.load %arg1[%get3A_7, %get3A_8, %get3A_9] : memref<2x1000x128xf32, #tpu.memory_space<vmem>>, vector<1x1000x128xf32>
    %get3A_11 = vector.shape_cast %get3A_10 : vector<1x1000x128xf32> to vector<1000x128xf32>
    %add3A = arith.addf %get3A_6, %get3A_11 : vector<1000x128xf32>
    %get3A_12 = arith.constant 0 : index
    %get3A_13 = arith.constant 0 : index
    %get3A_14 = vector.load %arg2[%get3A_12, %get3A_13] : memref<1000x128xf32, #tpu.memory_space<vmem>>, vector<1000x128xf32>
    %add3A_15 = arith.addf %add3A, %get3A_14 : vector<1000x128xf32>
    %mul3A = vector.broadcast %get3A_1 : vector<1000x1xf32> to vector<1000x128xf32>
    %mul3A_16 = arith.mulf %add3A_15, %mul3A : vector<1000x128xf32>
    %get3A_17 = arith.constant 0 : index
    %get3A_18 = arith.constant 0 : index
    %get3A_19 = vector.load %arg4[%get3A_17, %get3A_18] : memref<1x128xf32, #tpu.memory_space<vmem>>, vector<1x128xf32>
    %add3A_20 = vector.broadcast %get3A_19 : vector<1x128xf32> to vector<1000x128xf32>
    %add3A_21 = arith.addf %mul3A_16, %add3A_20 : vector<1000x128xf32>
    %max3A = arith.constant 0.000000e+00 : f32
    %max3A_22 = vector.broadcast %max3A : f32 to vector<1000x128xf32>
    %max3A_23 = arith.maximumf %add3A_21, %max3A_22 : vector<1000x128xf32>
    %get3A_24 = arith.constant 0 : index
    %get3A_25 = arith.constant 0 : index
    %get3A_26 = vector.load %arg5[%get3A_24, %get3A_25] : memref<128x128xf32, #tpu.memory_space<vmem>>, vector<128x128xf32>
    %dot_general3A = arith.constant dense<0.000000e+00> : vector<1000x128xf32>
    %dot_general3A_27 = tpu.matmul %max3A_23, %get3A_26, %dot_general3A {dimension_numbers = #tpu.dot_dimension_numbers<[1], [0], [0], [1], [0, 0, 1, 1], [], []>, transpose_lhs_hint = false} : vector<1000x128xf32>, vector<128x128xf32>, vector<1000x128xf32> -> vector<1000x128xf32>
    %mul3A_28 = vector.broadcast %get3A_1 : vector<1000x1xf32> to vector<1000x128xf32>
    %mul3A_29 = arith.mulf %dot_general3A_27, %mul3A_28 : vector<1000x128xf32>
    %swap3A = arith.constant 0 : index
    %swap3A_30 = arith.constant 0 : index
    %swap3A_31 = vector.load %arg6[%swap3A, %swap3A_30] : memref<1000x128xf32, #tpu.memory_space<vmem>>, vector<1000x128xf32>
    tpu.vector_store %arg6[%swap3A, %swap3A_30], %mul3A_29 {strides = array<i32>} : memref<1000x128xf32, #tpu.memory_space<vmem>>, vector<1000x128xf32>,
    return
  }
  func.func @transform_0(%arg0: i32) -> (i32, i32, i32) {
    %c0_i32 = arith.constant 0 : i32
    %c0_i32_0 = arith.constant 0 : i32
    %c0_i32_1 = arith.constant 0 : i32
    return %c0_i32, %arg0, %c0_i32_0 : i32, i32, i32
  }
  func.func @transform_1(%arg0: i32) -> (i32, i32) {
    %c0_i32 = arith.constant 0 : i32
    %c0_i32_0 = arith.constant 0 : i32
    return %arg0, %c0_i32 : i32, i32
  }
  func.func @transform_2(%arg0: i32) -> (i32, i32) {
    %c0_i32 = arith.constant 0 : i32
    %c0_i32_0 = arith.constant 0 : i32
    return %arg0, %c0_i32 : i32, i32
  }
  func.func @transform_3(%arg0: i32) -> (i32, i32) {
    %c0_i32 = arith.constant 0 : i32
    %c0_i32_0 = arith.constant 0 : i32
    %c0_i32_1 = arith.constant 0 : i32
    return %c0_i32, %c0_i32_0 : i32, i32
  }
  func.func @transform_4(%arg0: i32) -> (i32, i32) {
    %c0_i32 = arith.constant 0 : i32
    %c0_i32_0 = arith.constant 0 : i32
    %c0_i32_1 = arith.constant 0 : i32
    return %c0_i32, %c0_i32_0 : i32, i32
  }
  func.func @transform_5(%arg0: i32) -> (i32, i32) {
    %c0_i32 = arith.constant 0 : i32
    %c0_i32_0 = arith.constant 0 : i32
    return %arg0, %c0_i32 : i32, i32
  }
}

module attributes {stable_mosaic.version = 14 : i64} {
  func.func @_tc_fin_body(%arg0: i32, %arg1: memref<2x1000x128xf32, #tpu.memory_space<vmem>>, %arg2: memref<1000x128xf32, #tpu.memory_space<vmem>>, %arg3: memref<1000x8xf32, #tpu.memory_space<vmem>>, %arg4: memref<1x128xf32, #tpu.memory_space<vmem>>, %arg5: memref<1000x128xf32, #tpu.memory_space<vmem>>) attributes {dimension_semantics = [#tpu.dimension_semantics<arbitrary>], iteration_bounds = array<i64: 10>, scalar_prefetch = 0 : i64, scratch_operands = 0 : i64, tpu.core_type = #tpu.core_type<tc>, window_params = [{transform_indices = @transform_0, window_bounds = array<i64: 2, 1000, 128>}, {transform_indices = @transform_1, window_bounds = array<i64: 1000, 128>}, {transform_indices = @transform_2, window_bounds = array<i64: 1000, 8>}, {pipeline_mode = #tpu.pipeline_mode<synchronous>, transform_indices = @transform_3, window_bounds = array<i64: 1, 128>}, {transform_indices = @transform_4, window_bounds = array<i64: 1000, 128>}]} {
    %get3A = arith.constant 0 : index
    %get3A_0 = arith.constant 0 : index
    %get3A_1 = arith.constant 0 : index
    %get3A_2 = vector.load %arg1[%get3A, %get3A_0, %get3A_1] : memref<2x1000x128xf32, #tpu.memory_space<vmem>>, vector<1x1000x128xf32>
    %get3A_3 = vector.shape_cast %get3A_2 : vector<1x1000x128xf32> to vector<1000x128xf32>
    %get3A_4 = arith.constant 1 : index
    %get3A_5 = arith.constant 0 : index
    %get3A_6 = arith.constant 0 : index
    %get3A_7 = vector.load %arg1[%get3A_4, %get3A_5, %get3A_6] : memref<2x1000x128xf32, #tpu.memory_space<vmem>>, vector<1x1000x128xf32>
    %get3A_8 = vector.shape_cast %get3A_7 : vector<1x1000x128xf32> to vector<1000x128xf32>
    %add3A = arith.addf %get3A_3, %get3A_8 : vector<1000x128xf32>
    %get3A_9 = arith.constant 0 : index
    %get3A_10 = arith.constant 0 : index
    %get3A_11 = vector.load %arg2[%get3A_9, %get3A_10] : memref<1000x128xf32, #tpu.memory_space<vmem>>, vector<1000x128xf32>
    %add3A_12 = arith.addf %add3A, %get3A_11 : vector<1000x128xf32>
    %get3A_13 = arith.constant 0 : index
    %get3A_14 = arith.constant 0 : index
    %get3A_15 = vector.load %arg3[%get3A_13, %get3A_14] : memref<1000x8xf32, #tpu.memory_space<vmem>>, vector<1000x1xf32>
    %mul3A = vector.broadcast %get3A_15 : vector<1000x1xf32> to vector<1000x128xf32>
    %mul3A_16 = arith.mulf %add3A_12, %mul3A : vector<1000x128xf32>
    %get3A_17 = arith.constant 0 : index
    %get3A_18 = arith.constant 0 : index
    %get3A_19 = vector.load %arg4[%get3A_17, %get3A_18] : memref<1x128xf32, #tpu.memory_space<vmem>>, vector<1x128xf32>
    %add3A_20 = vector.broadcast %get3A_19 : vector<1x128xf32> to vector<1000x128xf32>
    %add3A_21 = arith.addf %mul3A_16, %add3A_20 : vector<1000x128xf32>
    %swap3A = arith.constant 0 : index
    %swap3A_22 = arith.constant 0 : index
    %swap3A_23 = vector.load %arg5[%swap3A, %swap3A_22] : memref<1000x128xf32, #tpu.memory_space<vmem>>, vector<1000x128xf32>
    tpu.vector_store %arg5[%swap3A, %swap3A_22], %add3A_21 {strides = array<i32>} : memref<1000x128xf32, #tpu.memory_space<vmem>>, vector<1000x128xf32>,
    return
  }
  func.func @transform_0(%arg0: i32) -> (i32, i32, i32) {
    %c0_i32 = arith.constant 0 : i32
    %c0_i32_0 = arith.constant 0 : i32
    %c0_i32_1 = arith.constant 0 : i32
    return %c0_i32, %arg0, %c0_i32_0 : i32, i32, i32
  }
  func.func @transform_1(%arg0: i32) -> (i32, i32) {
    %c0_i32 = arith.constant 0 : i32
    %c0_i32_0 = arith.constant 0 : i32
    return %arg0, %c0_i32 : i32, i32
  }
  func.func @transform_2(%arg0: i32) -> (i32, i32) {
    %c0_i32 = arith.constant 0 : i32
    %c0_i32_0 = arith.constant 0 : i32
    return %arg0, %c0_i32 : i32, i32
  }
  func.func @transform_3(%arg0: i32) -> (i32, i32) {
    %c0_i32 = arith.constant 0 : i32
    %c0_i32_0 = arith.constant 0 : i32
    %c0_i32_1 = arith.constant 0 : i32
    return %c0_i32, %c0_i32_0 : i32, i32
  }
  func.func @transform_4(%arg0: i32) -> (i32, i32) {
    %c0_i32 = arith.constant 0 : i32
    %c0_i32_0 = arith.constant 0 : i32
    return %arg0, %c0_i32 : i32, i32
  }
}

</mosaic_0001>

<sc_bundles>
// kernel: kernel.11.cloned.1.call-start
scs
__scs_entry_jumppad:
0x0: {  	(pc) =	sbr.rel $0x88, $3  }
0x1: {  	(tag) =	ssettag $0x0;
	lr =	simm.s32 $0x1  }
0x2: {  	[smem:$0x3F9B] =	sst lr;
	_ =	strace $0xD0000000  }
0x3: {  	_ = 	snop  }
0x4: {  	_ = 	snop  }
0x5: {  	_ = 	snop  }
0x6: {  	_ = 	snop  }
0x7: {  	_ = 	snop  }
__scs_overlays_trampoline_lowered:
0x8: {  	[smem:$0x3FAA] =	sst s0  }
0x9: {  	[smem:$0x3FAB] =	sst s1  }
0xa: {  	[smem:$0x3FAC] =	sst s2  }
0xb: {  	[smem:$0x3FAD] =	sst s3  }
0xc: {  	[smem:$0x3FAE] =	sst s4  }
0xd: {  	[smem:$0x3FAF] =	sst s5  }
0xe: {  	[smem:$0x3FB0] =	sst s6  }
0xf: {  	[smem:$0x3FB1] =	sst s7  }
0x10: {  	[smem:$0x3FB2] =	sst s8  }
0x11: {  	[smem:$0x3FB3] =	sst s9;
	s0 =	simm.s32 @!p0 $0x0  }
0x12: {  	s1 =	sld [smem:$0x3F99];
	s0 =	simm.s32 @p0 $0x1  }
0x13: {  	[smem:$0x3FB4] =	sst s0;
	s0 =	simm.s32 @!p1 $0x0  }
0x14: {  	s2 =	sld [smem:$0x3F98];
	s0 =	simm.s32 @p1 $0x1  }
0x15: {  	[smem:$0x3FB5] =	sst s0;
	s0 =	simm.s32 @!p2 $0x0  }
0x16: {  	s3 =	sld [smem:$0x3FDB];
	s0 =	simm.s32 @p2 $0x1  }
0x17: {  	s4 =	simm.s32 $0x1BF5;
	[smem:$0x3FB7] =	sst s0  }
0x18: {  	s0 =	sld [smem:$0x3F9A];
	_ =	swait.ge [sflag:s4], $0x0  }
0x19: {  	s7 =	sld [smem:$0x3F9B]  }
0x1a: {  	s8 =	sadd.s32 $0xFFFFE003, lr  }
0x1b: {  	s9 =	sadd.s32 $0xFFFFFEF7, lr;
	s5 =	simm.s32 $0xFFFFFFFF;
	p2 =	slt.u32 s8, $0xFFFFF086  }
0x1c: {  	p1 =	slt.u32 s9, $0xF7A;
	s5 =	simm.s32 @!p2 $0x0  }
0x1d: {  	s5 =	simm.s32 @p1 $0x1;
	p0 =	seq.s32 s7, s2  }
0x1e: {  	s7 =	smul.u32 @!p0 $0xF7A, s2;
	p2 =	seq.s32 @!p0 s5, $0x0  }
0x1f: {  	s9 =	smul.u32 $0xF7A, s1;
	s8 =	simm.s32 @!p0 $0x1BF5;
	p2 =	por !p2, p0  }
0x20: {  	[sflag:s8] =	ssyncset.s32 @!p0 $0xFFFFF086;
	s6 =	sadd.s32 @!p0 s3, s7;
	s7 =	simm.s32 @!p0 $0x108  }
0x21: {  	s3 =	sadd.s32 s3, s9;
	s6 =	sadd.s32 @!p0 $0x88, s6;
	s7 =	simm.s32 @p2 $0x1082  }
0x22: {  	[simem:s7], [sflag:s8] =	dma.local @!p0 [hbm:s6], $0xF7A  }
0x23: {  	s9 =	sor.u32 $0xD0000000, s2;
	s6 =	simm.s32 $0x108;
	_ =	swait.ge @!p0 [sflag:s8], $0x0  }
0x24: {  	s3 =	sadd.s32 $0x88, s3;
	s6 =	simm.s32 @!p1 $0x1082;
	[sflag:s4] =	ssyncset.s32 $0xFFFFF086  }
0x25: {  	[simem:s6], [sflag:s4] =	dma.local [hbm:s3], $0xF7A  }
0x26: {  	[smem:$0x3F9B] =	sst s1;
	(tag) =	ssettag s2;
	_ =	strace s9  }
0x27: {  	s1 =	sld [smem:$0x3FAB]  }
0x28: {  	s2 =	sld [smem:$0x3FAC]  }
0x29: {  	s4 =	sld [smem:$0x3FAE]  }
0x2a: {  	p0 =	seq.s32 s5, $0x0;
	s5 =	sld [smem:$0x3FAF]  }
0x2b: {  	s6 =	sld [smem:$0x3FB0]  }
0x2c: {  	s7 =	sld [smem:$0x3FB1]  }
0x2d: {  	s3 =	simm.s32 $0x108;
	s8 =	sld [smem:$0x3FB2]  }
0x2e: {  	s3 =	simm.s32 @!p0 $0x1082;
	s9 =	sld [smem:$0x3FB3]  }
0x2f: {  	lr =	sadd.s32 s0, s3;
	s0 =	sld [smem:$0x3FAA]  }
0x30: {  	s3 =	sld [smem:$0x3FAD]  }
0x31: {  	[smem:$0x3FB6] =	sst s10  }
0x32: {  	s10 =	sld [smem:$0x3FB4];
	_ =	sdelay $0x3  }
0x33: {  	p0 =	seq.s32 s10, $0x1;
	s10 =	sld [smem:$0x3FB6];
	_ =	sdelay $0x3  }
0x34: {  	[smem:$0x3FB6] =	sst s10  }
0x35: {  	s10 =	sld [smem:$0x3FB5];
	_ =	sdelay $0x3  }
0x36: {  	p1 =	seq.s32 s10, $0x1;
	s10 =	sld [smem:$0x3FB6];
	_ =	sdelay $0x3  }
0x37: {  	[smem:$0x3FB6] =	sst s10  }
0x38: {  	s10 =	sld [smem:$0x3FB7]  }
0x39: {  	_ = 	snop;
	(pc) =	sbr.ind lr, $3  }
0x3a: {  	_ = 	snop  }
0x3b: {  	_ = 	snop  }
0x3c: {  	p2 =	seq.s32 s10, $0x1;
	s10 =	sld [smem:$0x3FB6]  }
0x3d: {  	_ =	shalt  }
0x3e: {  	_ =	shalt  }
0x3f: {  	_ =	shalt  }
0x40: {  	_ =	shalt  }
0x41: {  	_ =	shalt  }
0x42: {  	_ =	shalt  }
0x43: {  	_ =	shalt  }
0x44: {  	_ =	shalt  }
0x45: {  	_ =	shalt  }
0x46: {  	_ =	shalt  }
0x47: {  	_ =	shalt  }
0x48: {  	_ =	shalt  }
0x49: {  	_ =	shalt  }
0x4a: {  	_ =	shalt  }
0x4b: {  	_ =	shalt  }
0x4c: {  	_ =	shalt  }
0x4d: {  	_ =	shalt  }
0x4e: {  	_ =	shalt  }
0x4f: {  	_ =	shalt  }
0x50: {  	_ =	shalt  }
0x51: {  	_ =	shalt  }
0x52: {  	_ =	shalt  }
0x53: {  	_ =	shalt  }
0x54: {  	_ =	shalt  }
0x55: {  	_ =	shalt  }
0x56: {  	_ =	shalt  }
0x57: {  	_ =	shalt  }
0x58: {  	_ =	shalt  }
0x59: {  	_ =	shalt  }
0x5a: {  	_ =	shalt  }
0x5b: {  	_ =	shalt  }
0x5c: {  	_ =	shalt  }
0x5d: {  	_ =	shalt  }
0x5e: {  	_ =	shalt  }
0x5f: {  	_ =	shalt  }
0x60: {  	_ =	shalt  }
0x61: {  	_ =	shalt  }
0x62: {  	_ =	shalt  }
0x63: {  	_ =	shalt  }
0x64: {  	_ =	shalt  }
0x65: {  	_ =	shalt  }
0x66: {  	_ =	shalt  }
0x67: {  	_ =	shalt  }
0x68: {  	_ =	shalt  }
0x69: {  	_ =	shalt  }
0x6a: {  	_ =	shalt  }
0x6b: {  	_ =	shalt  }
0x6c: {  	_ =	shalt  }
0x6d: {  	_ =	shalt  }
0x6e: {  	_ =	shalt  }
0x6f: {  	_ =	shalt  }
0x70: {  	_ =	shalt  }
0x71: {  	_ =	shalt  }
0x72: {  	_ =	shalt  }
0x73: {  	_ =	shalt  }
0x74: {  	_ =	shalt  }
0x75: {  	_ =	shalt  }
0x76: {  	_ =	shalt  }
0x77: {  	_ =	shalt  }
0x78: {  	_ =	shalt  }
0x79: {  	_ =	shalt  }
0x7a: {  	_ =	shalt  }
0x7b: {  	_ =	shalt  }
0x7c: {  	_ =	shalt  }
0x7d: {  	_ =	shalt  }
0x7e: {  	_ =	shalt  }
0x7f: {  	_ =	shalt  }
0x80: {  	_ =	shalt  }
0x81: {  	_ =	shalt  }
0x82: {  	_ =	shalt  }
0x83: {  	_ =	shalt  }
0x84: {  	_ =	shalt  }
0x85: {  	_ =	shalt  }
0x86: {  	_ =	shalt  }
0x87: {  	_ =	shalt  }
.Lfunc_end0:
.L_simem_size_0:
called_computation.1_lowered:
.L_overlay_start_0:
0x88: {  	s2 =	sld [smem:$0x3FD9]  }
0x89: {  	s3 =	sld [smem:$0x3FFE];
	_ =	sdelay $0x1  }
0x8a: {  	s1 =	srdreg.scid  }
0x8b: {  	s0 =	sand.u32 $0x1, s1  }
0x8c: {  	s17 =	sshll.u32 s0, $0xA;
	s2 =	sadd.s32 s3, s2  }
0x8d: {  	s2 =	sadd.s32 s2, s17  }
0x8e: {  	[smem:$0x3FC2] =	sst s2  }
0x8f: {  	_ = 	snop  }
0x90: {  	s2 =	sld [smem:$0x3FD0];
	(tm) =	ssettm $0x1  }
0x91: {  	s18 =	sld [smem:$0x3FFB];
	_ =	sdelay $0x3  }
0x92: {  	_ =	strace s18  }
0x93: {  	s3 =	sld [smem:$0x3FFC];
	_ =	sdelay $0x3  }
0x94: {  	_ =	strace s3  }
0x95: {  	s3 =	sld [smem:$0x3FFD];
	_ =	sdelay $0x3  }
0x96: {  	_ =	strace s3  }
0x97: {  	_ =	strace $0x8FFFFFFF  }
0x98: {  	s19 =	sld [smem:$0x3FDB];
	_ =	sdelay $0x1  }
0x99: {  	s4 =	simm.s32 $_scs_section_size  }
0x9a: {  	s5 =	simm.s32 $_size__tile_overlayer_lowered;
	s6 =	simm.s32 $_tile_overlayer_lowered  }
0x9b: {  	s22 =	simm.s32 $0x1BFF;
	s21 =	sshll.u32 s6, $0x1;
	s3 =	sadd.s32 s4, s19  }
0x9c: {  	s7 =	simm.s32 $0x0;
	s20 =	sshll.u32 s5, $0x1;
	s5 =	sadd.s32 s21, s3  }
0x9d: {  	[timem:s7], [sflag:s22] =	dma.local [hbm:s5], s20  }
0x9e: {  	_ =	swait.ge [sflag:s22], s20  }
0x9f: {  	s4 =	ssub.s32 $0x0, s20;
	[sflag:s22] =	ssyncset.done $0x0  }
0xa0: {  	[sflag:s22] =	ssyncadd.s32 s4;
	_ =	sdelay $0x1  }
0xa1: {  	s23 =	simm.s32 $0x1B8B  }
0xa2: {  	_ =	swait.ge [sflag:s23], $0x1  }
0xa3: {  	[sflag:s23] =	ssyncset.done $0x0  }
0xa4: {  	s25 =	simm.s32 $0x1B8E;
	s24 =	sld [smem:$0x3FFE];
	[sflag:s23] =	ssyncadd.s32 $0xFFFFFFFF  }
0xa5: {  	s26 =	simm.s32 $execute0_lowered;
	[smem:$0x3FD2] =	sst s25  }
0xa6: {  	s5 =	sshll.u32 s26, $0x1;
	_ =	strace $0x80000049;
	[dreg:$0x1] =	wrdreg $0xFFFFFFFF  }
0xa7: {  	s28 =	simm.s32 $_size_execute0_lowered;
	s3 =	sadd.s32 s3, s5;
	[dreg:$0x0] =	wrdreg $0x0  }
0xa8: {  	s5 =	sshll.u32 s28, $0x1;
	[dreg:$0x2] =	wrdreg s3  }
0xa9: {  	[dreg:$0x3] =	wrdreg s5  }
0xaa: {  	[dreg:$0x4] =	wrdreg $0xC0  }
0xab: {  	_ =	task [dreg:s7], $0x5FFFF  }
0xac: {  	[dreg:$0x1] =	wrdreg $0xFFFFFFFF  }
0xad: {  	[dreg:$0x0] =	wrdreg $0x60  }
0xae: {  	[dreg:$0x2] =	wrdreg s2  }
0xaf: {  	[dreg:$0x3] =	wrdreg s24  }
0xb0: {  	[dreg:$0x4] =	wrdreg $0xB7800  }
0xb1: {  	[dreg:$0x5] =	wrdreg $0x9  }
0xb2: {  	_ =	task.clear_ibuf [dreg:s7], $0x6FFFF;
	_ =	strace $0x90000049  }
0xb3: {  	s29 =	simm.s32 $0x9;
	_ =	strace $0x8000004B  }
0xb4: {  	_ =	swait.ge [sflag:s29], $0x1  }
0xb5: {  	[sflag:s29] =	ssyncadd.s32 $0xFFFFFFFF  }
0xb6: {  	_ =	strace $0x9000004B  }
0xb7: {  	_ =	sfence  }
0xb8: {  	s30 =	sld [smem:$0x0];
	_ =	sdelay $0x2  }
0xb9: {  	s31 =	sshll.u32 s1, $0xD;
	s1 =	sshrl.u32 s1, $0x2  }
0xba: {  	s3 =	sand.u32 $0x4000, s31;
	s1 =	sadd.s32 s1, s30  }
0xbb: {  	s0 =	sor.u32 s3, s0;
	s1 =	sshll.u32 s1, $0x11  }
0xbc: {  	s0 =	sor.u32 s1, s0  }
0xbd: {  	s0 =	sadd.s32 $0x8F2B, s0  }
0xbe: {  	[sflag:s0] =	ssyncadd.remote.s32 $0x1  }
0xbf: {  	_ =	sfence.sel $0xFFFF  }
0xc0: {  	[dreg:$0x0] =	wrdreg $0xFFFFFFFF;
	(pc) =	sbr.abs _section_cstart, $3  }
0xc1: {  	[dreg:$0x1] =	wrdreg $0xFFFFFFFF  }
0xc2: {  	_ =	task.clear_ibuf [dreg:s7], $0x2FFFF;
	_ =	strace $0x9FFFFFFF  }
0xc3: {  	(tm) =	ssettm $0x7FFFFFFF  }
tec
execute0_lowered:
.L_overlay_start_1:
0x0: {  	(tag) =	ssettag $0x1  }
0x1: {  	s1 =	rddreg [dreg:$0x0]  }
0x2: {  	s0 =	srdreg.scid;
	s6 =	rddreg [dreg:$0x1]  }
0x3: {  	s19 =	stileid.u32;
	s3 =	rddreg [dreg:$0x2];
	s20 =	simm.s32 $0x3  }
0x4: {  	s22 =	simm.s32 $0x6780;
	s28 =	simm.s32 $0x1;
	s29 =	simm.s32 $0x8F80  }
0x5: {  	s30 =	simm.s32 $0x2;
	s31 =	simm.s32 $0x6580;
	s9 =	smul.u32 $0x4E000, s19  }
0x6: {  	s0 =	sand.u32 $0x1, s0;
	s2 =	sshll.u32 s19, $0x1;
	s10 =	smul.u32 $0x50000, s19  }
0x7: {  	s4 =	sshrl.u32 s19, $0x2;
	s18 =	smul.u32 $0x2700, s19;
	p0 =	sne.s32 s19, $0xF  }
0x8: {  	s2 =	sor.u32 s0, s2;
	s5 =	smul.u32 $0x13C00, s4;
	s4 =	simm.s32 $0x0  }
0x9: {  	s8 =	smul.u32 $0x27100, s0;
	s0 =	ssub.s32 $0x2, s0;
	s7 =	sshll.u32 s2, $0x7  }
0xa: {  	[smem:$0x7FF] =	sst s4;
	s2 =	sshll.u32 s2, $0xB;
	s24 =	sshrl.u32 s0, $0x1  }
0xb: {  	s25 =	sshrl.u32 s9, $0x2;
	s26 =	sshrl.u32 s10, $0x2;
	s7 =	sand.u32 $0x380, s7  }
0xc: {  	_ =	strace $0x8000004A;
	s2 =	sadd.s32 s2, s6;
	s8 =	sadd.s32 s8, s6  }
0xd: {  	s0 =	ssub.s32 s0, s24;
	s9 =	sadd.s32 s26, s3;
	s26 =	simm.s32 $0x50  }
0xe: {  	s5 =	sor.u32 s5, s7;
	s7 =	sadd.s32 $0x2600, s2;
	s8 =	sadd.s32 $0x12C00, s8  }
0xf: {  	s2 =	sadd.s32 s25, s3;
	s25 =	sadd.s32 $0x138000, s3;
	s10 =	smax.u32 s0, $0x1  }
0x10: {  	s11 =	sadd.s32 $0x2800, s9;
	s12 =	sadd.s32 $0x5000, s9;
	s13 =	sadd.s32 $0x7800, s9  }
0x11: {  	s14 =	sadd.s32 $0xA000, s9;
	s15 =	sadd.s32 $0xC800, s9;
	s16 =	sadd.s32 $0xF000, s9  }
0x12: {  	s17 =	sadd.s32 $0x11800, s9;
	s5 =	sshrl.u32 s5, $0x3;
	s24 =	sshrl.u32 s2, $0x3  }
0x13: {  	s25 =	sshrl.u32 @!p0 s25, $0x3;
	s2 =	simm.s32 $0x0;
	s23 =	sadd.s32 s5, s6  }
0x14: {  	s5 =	sadd.s32 $0x12600, s6;
	s6 =	sadd.s32 $0x60E00, s23;
	s23 =	sadd.s32 s18, s8  }
.LBB2_1:
0x15: {  	s0 =	simm.s32 $0x80;
	s18 =	simm.s32 $0x400  }
0x16: {  	[tilespmem:s4], [sflag:$0x3] =	stream.strided.gather [hbm4b:s6+s0], $0x2780, s18, s0, $0x38;
	[tilespmem:$0x1F780] =	vst v63  }
0x17: {  	_ =	swait.ge [sflag:s20], $0x2780  }
0x18: {  	[sflag:s20] =	ssyncset.done $0x0  }
0x19: {  	s21 =	simm.s32 $0x2780;
	[sflag:s20] =	ssyncadd.s32 $0xFFFFD880  }
0x1a: {  	[tilespmem:s21], [sflag:$0x3] =	stream.linear.gather [hbm4b:s7+s4], $0x3E80, $0x38;
	[tilespmem:$0x1F780] =	vst v63  }
0x1b: {  	_ =	swait.ge [sflag:s20], $0x3E80  }
0x1c: {  	[sflag:s20] =	ssyncset.done $0x0  }
0x1d: {  	[sflag:s20] =	ssyncadd.s32 $0xFFFFC180  }
0x1e: {  	[tilespmem:s22], [sflag:$0x3] =	stream.linear.gather [hbm4b:s5+s4], $0x2800, $0x38;
	[tilespmem:$0x1F780] =	vst v63  }
0x1f: {  	_ =	swait.ge [sflag:s20], $0x2800  }
0x20: {  	[sflag:s20] =	ssyncset.done $0x0  }
0x21: {  	[sflag:s20] =	ssyncadd.s32 $0xFFFFD800  }
0x22: {  	[spmem:s9] =	stream.linear.scatter [tilespmem:s22], [sflag:$0x3], $0x2800, $0x38;
	[tilespmem:$0x1F780] =	vst v63  }
0x23: {  	_ =	swait.ge [sflag:s20], $0x2800  }
0x24: {  	[sflag:s20] =	ssyncset.done $0x0  }
0x25: {  	[sflag:s20] =	ssyncadd.s32 $0xFFFFD800  }
0x26: {  	[spmem:s11] =	stream.linear.scatter [tilespmem:s22], [sflag:$0x3], $0x2800, $0x38;
	[tilespmem:$0x1F780] =	vst v63  }
0x27: {  	_ =	swait.ge [sflag:s20], $0x2800  }
0x28: {  	[sflag:s20] =	ssyncset.done $0x0  }
0x29: {  	[sflag:s20] =	ssyncadd.s32 $0xFFFFD800  }
0x2a: {  	[spmem:s12] =	stream.linear.scatter [tilespmem:s22], [sflag:$0x3], $0x2800, $0x38;
	[tilespmem:$0x1F780] =	vst v63  }
0x2b: {  	_ =	swait.ge [sflag:s20], $0x2800  }
0x2c: {  	[sflag:s20] =	ssyncset.done $0x0  }
0x2d: {  	[sflag:s20] =	ssyncadd.s32 $0xFFFFD800  }
0x2e: {  	[spmem:s13] =	stream.linear.scatter [tilespmem:s22], [sflag:$0x3], $0x2800, $0x38;
	[tilespmem:$0x1F780] =	vst v63  }
0x2f: {  	_ =	swait.ge [sflag:s20], $0x2800  }
0x30: {  	[sflag:s20] =	ssyncset.done $0x0  }
0x31: {  	[sflag:s20] =	ssyncadd.s32 $0xFFFFD800  }
0x32: {  	[spmem:s14] =	stream.linear.scatter [tilespmem:s22], [sflag:$0x3], $0x2800, $0x38;
	[tilespmem:$0x1F780] =	vst v63  }
0x33: {  	_ =	swait.ge [sflag:s20], $0x2800  }
0x34: {  	[sflag:s20] =	ssyncset.done $0x0  }
0x35: {  	[sflag:s20] =	ssyncadd.s32 $0xFFFFD800  }
0x36: {  	[spmem:s15] =	stream.linear.scatter [tilespmem:s22], [sflag:$0x3], $0x2800, $0x38;
	[tilespmem:$0x1F780] =	vst v63  }
0x37: {  	_ =	swait.ge [sflag:s20], $0x2800  }
0x38: {  	[sflag:s20] =	ssyncset.done $0x0  }
0x39: {  	[sflag:s20] =	ssyncadd.s32 $0xFFFFD800  }
0x3a: {  	[spmem:s16] =	stream.linear.scatter [tilespmem:s22], [sflag:$0x3], $0x2800, $0x38;
	[tilespmem:$0x1F780] =	vst v63  }
0x3b: {  	_ =	swait.ge [sflag:s20], $0x2800  }
0x3c: {  	[sflag:s20] =	ssyncset.done $0x0  }
0x3d: {  	[sflag:s20] =	ssyncadd.s32 $0xFFFFD800  }
0x3e: {  	[spmem:s17] =	stream.linear.scatter [tilespmem:s22], [sflag:$0x3], $0x2800, $0x38;
	[tilespmem:$0x1F780] =	vst v63  }
0x3f: {  	_ =	swait.ge [sflag:s20], $0x2800  }
0x40: {  	[sflag:s20] =	ssyncset.done $0x0  }
0x41: {  	[sflag:s20] =	ssyncadd.s32 $0xFFFFD800  }
0x42: {  	[bflag:$0x0] =	sbarrier.arrive $0xFFFF  }
0x43: {  	[tilespmem:s22], [sflag:$0x1] =	stream.indirect.gather [hbm4b:s1+s26], $0x80, s4, s26, $0xb8;
	[tilespmem:$0x1F780] =	vst v63  }
0x44: {  	_ =	swait.ge [sflag:s28], $0x2800  }
0x45: {  	[sflag:s28] =	ssyncset.done $0x0  }
0x46: {  	s18 =	simm.s32 $0x50;
	[sflag:s28] =	ssyncadd.s32 $0xFFFFD800  }
0x47: {  	[tilespmem:s29], [sflag:$0x2] =	stream.indirect.gather [hbm4b:s1+s26], $0x80, s18, s26, $0xb8;
	[tilespmem:$0x1F780] =	vst v63  }
0x48: {  	s19 =	simm.s32 $0x2780  }
0x49: {  	[spmem:s3] =	stream.indirect.scatter.add.f32 [tilespmem:s22], [sflag:$0x3], $0x80, s19, s26, $0xb8;
	[tilespmem:$0x1F780] =	vst v63  }
0x4a: {  	_ =	swait.ge [sflag:s20], $0x2800  }
0x4b: {  	[sflag:s20] =	ssyncset.done $0x0  }
0x4c: {  	[sflag:s20] =	ssyncadd.s32 $0xFFFFD800  }
0x4d: {  	_ =	swait.ge [sflag:s30], $0x2800  }
0x4e: {  	[sflag:s30] =	ssyncset.done $0x0  }
0x4f: {  	s0 =	simm.s32 $0xA0;
	[sflag:s30] =	ssyncadd.s32 $0xFFFFD800  }
0x50: {  	[tilespmem:s22], [sflag:$0x1] =	stream.indirect.gather [hbm4b:s1+s26], $0x80, s0, s26, $0xb8;
	[tilespmem:$0x1F780] =	vst v63  }
0x51: {  	s21 =	simm.s32 $0x2800  }
0x52: {  	[spmem:s3] =	stream.indirect.scatter.add.f32 [tilespmem:s29], [sflag:$0x3], $0x80, s21, s26, $0xb8;
	[tilespmem:$0x1F780] =	vst v63  }
0x53: {  	_ =	swait.ge [sflag:s20], $0x2800  }
0x54: {  	s18 =	simm.s32 $0x400;
	[sflag:s20] =	ssyncset.done $0x0  }
.LBB2_2:
0x55: {  	p1 =	sne.s32 s18, $0xF400;
	[sflag:s20] =	ssyncadd.s32 $0xFFFFD800;
	s0 =	sadd.s32 $0xA0, s0  }
0x56: {  	s19 =	smov.u32 s18;
	s18 =	sadd.s32 $0x400, s18  }
0x57: {  	_ =	swait.ge [sflag:s28], $0x2800  }
0x58: {  	[sflag:s28] =	ssyncset.done $0x0  }
0x59: {  	s21 =	sadd.s32 $0xFFFFFFB0, s0;
	s19 =	sshra.s32 s19, $0x2;
	[sflag:s28] =	ssyncadd.s32 $0xFFFFD800  }
0x5a: {  	[tilespmem:s29], [sflag:$0x2] =	stream.indirect.gather [hbm4b:s1+s26], $0x80, s21, s26, $0xb8;
	[tilespmem:$0x1F780] =	vst v63  }
0x5b: {  	s21 =	sadd.s32 $0x2780, s19  }
0x5c: {  	[spmem:s3] =	stream.indirect.scatter.add.f32 [tilespmem:s22], [sflag:$0x3], $0x80, s21, s26, $0xb8;
	[tilespmem:$0x1F780] =	vst v63  }
0x5d: {  	_ =	swait.ge [sflag:s20], $0x2800  }
0x5e: {  	[sflag:s20] =	ssyncset.done $0x0  }
0x5f: {  	[sflag:s20] =	ssyncadd.s32 $0xFFFFD800  }
0x60: {  	_ =	swait.ge [sflag:s30], $0x2800  }
0x61: {  	[sflag:s30] =	ssyncset.done $0x0  }
0x62: {  	[sflag:s30] =	ssyncadd.s32 $0xFFFFD800  }
0x63: {  	[tilespmem:s22], [sflag:$0x1] =	stream.indirect.gather [hbm4b:s1+s26], $0x80, s0, s26, $0xb8;
	[tilespmem:$0x1F780] =	vst v63  }
.Ltmp0:
0x64: {  	_ = 	snop;
	(pc) =	sbr.rel @p1 .LBB2_2-.Ltmp0, $4  }
0x65: {  	s19 =	sadd.s32 $0x2800, s19  }
0x66: {  	[spmem:s3] =	stream.indirect.scatter.add.f32 [tilespmem:s29], [sflag:$0x3], $0x80, s19, s26, $0xb8;
	[tilespmem:$0x1F780] =	vst v63  }
0x67: {  	_ =	swait.ge [sflag:s20], $0x2800  }
0x68: {  	[sflag:s20] =	ssyncset.done $0x0  }
0x69: {  	[sflag:s20] =	ssyncadd.s32 $0xFFFFD800  }
0x6a: {  	_ =	swait.ge [sflag:s28], $0x2800  }
0x6b: {  	[sflag:s28] =	ssyncset.done $0x0  }
0x6c: {  	[sflag:s28] =	ssyncadd.s32 $0xFFFFD800  }
0x6d: {  	[spmem:s3] =	stream.indirect.scatter.add.f32 [tilespmem:s22], [sflag:$0x3], $0x80, s31, s26, $0xb8;
	[tilespmem:$0x1F780] =	vst v63  }
0x6e: {  	_ =	swait.ge [sflag:s20], $0x2800  }
0x6f: {  	s0 =	stileid.u32;
	[sflag:s20] =	ssyncset.done $0x0  }
0x70: {  	s0 =	sshll.u32 s0, $0x6;
	[sflag:s20] =	ssyncadd.s32 $0xFFFFD800  }
0x71: {  	s0 =	sor.u32 $0x1C03, s0;
	[bflag:$0x0] =	sbarrier.arrive $0xFFFF  }
0x72: {  	[hbm:s23], [sflag:s0] =	dma.local [spmem:s24], $0x2700  }
0x73: {  	_ =	swait.ge [sflag:s20], $0x2700  }
0x74: {  	s2 =	sadd.s32 $0x1, s2;
	[sflag:s20] =	ssyncset.done $0x0  }
0x75: {  	s18 =	sadd.s32 @!p0 $0x27000, s8;
	p1 =	sne.s32 s2, s10;
	[sflag:s20] =	ssyncadd.s32 $0xFFFFD900  }
0x76: {  	[hbm:s18], [sflag:s0] =	dma.local @!p0 [spmem:s25], $0x100  }
.Ltmp1:
0x77: {  	_ = 	snop;
	(pc) =	sbr.rel @p1 .LBB2_1-.Ltmp1, $4  }
0x78: {  	s0 =	simm.s32 @!p0 $0x3  }
0x79: {  	_ =	swait.ge @!p0 [sflag:s0], $0x100  }
0x7a: {  	[sflag:s0] =	ssyncset.done @!p0 $0x0  }
0x7b: {  	[sflag:s0] =	ssyncadd.s32 @!p0 $0xFFFFFF00  }
0x7c: {  	_ =	sfence.sel $0x180000  }
0x7d: {  	[bflag:$0x0] =	sbarrier.arrive $0xFFFF  }
0x7e: {  	_ =	strace $0x9000004A  }
0x7f: {  	s0 =	stileid.u32;
	[bflag:$0x2] =	sbarrier.arrive $0xFFFF  }
0x80: {  	p0 =	sne.s32 s0, $0x0;
	s0 =	rddreg [dreg:$0x3]  }
0x81: {  	s0 =	sadd.s32 @!p0 $0x100000, s0  }
0x82: {  	[sflag:s0] =	ssyncadd.tile.s32 @!p0 $0x1;
	_ =	shalt  }
.Lfunc_end2:
_tile_overlayer_lowered:
.L_overlay_start_2:
0x83: {  	(tag) =	ssettag $0x2  }
0x84: {  	s0 =	rddreg [dreg:$0x0];
	s2 =	stileid.u32  }
0x85: {  	s1 =	rddreg [dreg:$0x1];
	p0 =	sne.s32 s2, $0x0  }
0x86: {  	s3 =	rddreg [dreg:$0x2];
	[bflag:$0x3] =	sbarrier.arrive $0xFFFF;
	s2 =	simm.s32 @!p0 $0x1C03  }
0x87: {  	[timem:s3], [sflag:s2] =	dma.local @!p0 [hbm:s0], s1  }
0x88: {  	s0 =	simm.s32 @!p0 $0x3  }
0x89: {  	_ =	swait.ge @!p0 [sflag:s0], s1  }
0x8a: {  	s1 =	ssub.s32 @!p0 $0x0, s1;
	[sflag:s0] =	ssyncset.done @!p0 $0x0  }
0x8b: {  	[sflag:s0] =	ssyncadd.s32 @!p0 s1  }
0x8c: {  	[bflag:$0x3] =	sbarrier.arrive $0xFFFF  }
0x8d: {  	_ =	shalt  }

// kernel: kernel.14.cloned.1.call-start
scs
__scs_entry_jumppad:
0x0: {  	(pc) =	sbr.rel $0x88, $3  }
0x1: {  	(tag) =	ssettag $0x0;
	lr =	simm.s32 $0x1  }
0x2: {  	[smem:$0x3F9B] =	sst lr;
	_ =	strace $0xD0000000  }
0x3: {  	_ = 	snop  }
0x4: {  	_ = 	snop  }
0x5: {  	_ = 	snop  }
0x6: {  	_ = 	snop  }
0x7: {  	_ = 	snop  }
__scs_overlays_trampoline_lowered:
0x8: {  	[smem:$0x3FAA] =	sst s0  }
0x9: {  	[smem:$0x3FAB] =	sst s1  }
0xa: {  	[smem:$0x3FAC] =	sst s2  }
0xb: {  	[smem:$0x3FAD] =	sst s3  }
0xc: {  	[smem:$0x3FAE] =	sst s4  }
0xd: {  	[smem:$0x3FAF] =	sst s5  }
0xe: {  	[smem:$0x3FB0] =	sst s6  }
0xf: {  	[smem:$0x3FB1] =	sst s7  }
0x10: {  	[smem:$0x3FB2] =	sst s8  }
0x11: {  	[smem:$0x3FB3] =	sst s9;
	s0 =	simm.s32 @!p0 $0x0  }
0x12: {  	s1 =	sld [smem:$0x3F99];
	s0 =	simm.s32 @p0 $0x1  }
0x13: {  	[smem:$0x3FB4] =	sst s0;
	s0 =	simm.s32 @!p1 $0x0  }
0x14: {  	s2 =	sld [smem:$0x3F98];
	s0 =	simm.s32 @p1 $0x1  }
0x15: {  	[smem:$0x3FB5] =	sst s0;
	s0 =	simm.s32 @!p2 $0x0  }
0x16: {  	s3 =	sld [smem:$0x3FDB];
	s0 =	simm.s32 @p2 $0x1  }
0x17: {  	s4 =	simm.s32 $0x1BF5;
	[smem:$0x3FB7] =	sst s0  }
0x18: {  	s0 =	sld [smem:$0x3F9A];
	_ =	swait.ge [sflag:s4], $0x0  }
0x19: {  	s7 =	sld [smem:$0x3F9B]  }
0x1a: {  	s8 =	sadd.s32 $0xFFFFE003, lr  }
0x1b: {  	s9 =	sadd.s32 $0xFFFFFEF7, lr;
	s5 =	simm.s32 $0xFFFFFFFF;
	p2 =	slt.u32 s8, $0xFFFFF086  }
0x1c: {  	p1 =	slt.u32 s9, $0xF7A;
	s5 =	simm.s32 @!p2 $0x0  }
0x1d: {  	s5 =	simm.s32 @p1 $0x1;
	p0 =	seq.s32 s7, s2  }
0x1e: {  	s7 =	smul.u32 @!p0 $0xF7A, s2;
	p2 =	seq.s32 @!p0 s5, $0x0  }
0x1f: {  	s9 =	smul.u32 $0xF7A, s1;
	s8 =	simm.s32 @!p0 $0x1BF5;
	p2 =	por !p2, p0  }
0x20: {  	[sflag:s8] =	ssyncset.s32 @!p0 $0xFFFFF086;
	s6 =	sadd.s32 @!p0 s3, s7;
	s7 =	simm.s32 @!p0 $0x108  }
0x21: {  	s3 =	sadd.s32 s3, s9;
	s6 =	sadd.s32 @!p0 $0x88, s6;
	s7 =	simm.s32 @p2 $0x1082  }
0x22: {  	[simem:s7], [sflag:s8] =	dma.local @!p0 [hbm:s6], $0xF7A  }
0x23: {  	s9 =	sor.u32 $0xD0000000, s2;
	s6 =	simm.s32 $0x108;
	_ =	swait.ge @!p0 [sflag:s8], $0x0  }
0x24: {  	s3 =	sadd.s32 $0x88, s3;
	s6 =	simm.s32 @!p1 $0x1082;
	[sflag:s4] =	ssyncset.s32 $0xFFFFF086  }
0x25: {  	[simem:s6], [sflag:s4] =	dma.local [hbm:s3], $0xF7A  }
0x26: {  	[smem:$0x3F9B] =	sst s1;
	(tag) =	ssettag s2;
	_ =	strace s9  }
0x27: {  	s1 =	sld [smem:$0x3FAB]  }
0x28: {  	s2 =	sld [smem:$0x3FAC]  }
0x29: {  	s4 =	sld [smem:$0x3FAE]  }
0x2a: {  	p0 =	seq.s32 s5, $0x0;
	s5 =	sld [smem:$0x3FAF]  }
0x2b: {  	s6 =	sld [smem:$0x3FB0]  }
0x2c: {  	s7 =	sld [smem:$0x3FB1]  }
0x2d: {  	s3 =	simm.s32 $0x108;
	s8 =	sld [smem:$0x3FB2]  }
0x2e: {  	s3 =	simm.s32 @!p0 $0x1082;
	s9 =	sld [smem:$0x3FB3]  }
0x2f: {  	lr =	sadd.s32 s0, s3;
	s0 =	sld [smem:$0x3FAA]  }
0x30: {  	s3 =	sld [smem:$0x3FAD]  }
0x31: {  	[smem:$0x3FB6] =	sst s10  }
0x32: {  	s10 =	sld [smem:$0x3FB4];
	_ =	sdelay $0x3  }
0x33: {  	p0 =	seq.s32 s10, $0x1;
	s10 =	sld [smem:$0x3FB6];
	_ =	sdelay $0x3  }
0x34: {  	[smem:$0x3FB6] =	sst s10  }
0x35: {  	s10 =	sld [smem:$0x3FB5];
	_ =	sdelay $0x3  }
0x36: {  	p1 =	seq.s32 s10, $0x1;
	s10 =	sld [smem:$0x3FB6];
	_ =	sdelay $0x3  }
0x37: {  	[smem:$0x3FB6] =	sst s10  }
0x38: {  	s10 =	sld [smem:$0x3FB7]  }
0x39: {  	_ = 	snop;
	(pc) =	sbr.ind lr, $3  }
0x3a: {  	_ = 	snop  }
0x3b: {  	_ = 	snop  }
0x3c: {  	p2 =	seq.s32 s10, $0x1;
	s10 =	sld [smem:$0x3FB6]  }
0x3d: {  	_ =	shalt  }
0x3e: {  	_ =	shalt  }
0x3f: {  	_ =	shalt  }
0x40: {  	_ =	shalt  }
0x41: {  	_ =	shalt  }
0x42: {  	_ =	shalt  }
0x43: {  	_ =	shalt  }
0x44: {  	_ =	shalt  }
0x45: {  	_ =	shalt  }
0x46: {  	_ =	shalt  }
0x47: {  	_ =	shalt  }
0x48: {  	_ =	shalt  }
0x49: {  	_ =	shalt  }
0x4a: {  	_ =	shalt  }
0x4b: {  	_ =	shalt  }
0x4c: {  	_ =	shalt  }
0x4d: {  	_ =	shalt  }
0x4e: {  	_ =	shalt  }
0x4f: {  	_ =	shalt  }
0x50: {  	_ =	shalt  }
0x51: {  	_ =	shalt  }
0x52: {  	_ =	shalt  }
0x53: {  	_ =	shalt  }
0x54: {  	_ =	shalt  }
0x55: {  	_ =	shalt  }
0x56: {  	_ =	shalt  }
0x57: {  	_ =	shalt  }
0x58: {  	_ =	shalt  }
0x59: {  	_ =	shalt  }
0x5a: {  	_ =	shalt  }
0x5b: {  	_ =	shalt  }
0x5c: {  	_ =	shalt  }
0x5d: {  	_ =	shalt  }
0x5e: {  	_ =	shalt  }
0x5f: {  	_ =	shalt  }
0x60: {  	_ =	shalt  }
0x61: {  	_ =	shalt  }
0x62: {  	_ =	shalt  }
0x63: {  	_ =	shalt  }
0x64: {  	_ =	shalt  }
0x65: {  	_ =	shalt  }
0x66: {  	_ =	shalt  }
0x67: {  	_ =	shalt  }
0x68: {  	_ =	shalt  }
0x69: {  	_ =	shalt  }
0x6a: {  	_ =	shalt  }
0x6b: {  	_ =	shalt  }
0x6c: {  	_ =	shalt  }
0x6d: {  	_ =	shalt  }
0x6e: {  	_ =	shalt  }
0x6f: {  	_ =	shalt  }
0x70: {  	_ =	shalt  }
0x71: {  	_ =	shalt  }
0x72: {  	_ =	shalt  }
0x73: {  	_ =	shalt  }
0x74: {  	_ =	shalt  }
0x75: {  	_ =	shalt  }
0x76: {  	_ =	shalt  }
0x77: {  	_ =	shalt  }
0x78: {  	_ =	shalt  }
0x79: {  	_ =	shalt  }
0x7a: {  	_ =	shalt  }
0x7b: {  	_ =	shalt  }
0x7c: {  	_ =	shalt  }
0x7d: {  	_ =	shalt  }
0x7e: {  	_ =	shalt  }
0x7f: {  	_ =	shalt  }
0x80: {  	_ =	shalt  }
0x81: {  	_ =	shalt  }
0x82: {  	_ =	shalt  }
0x83: {  	_ =	shalt  }
0x84: {  	_ =	shalt  }
0x85: {  	_ =	shalt  }
0x86: {  	_ =	shalt  }
0x87: {  	_ =	shalt  }
.Lfunc_end0:
.L_simem_size_0:
called_computation.2_lowered:
.L_overlay_start_0:
0x88: {  	s2 =	sld [smem:$0x3FD9]  }
0x89: {  	s3 =	sld [smem:$0x3FFE];
	_ =	sdelay $0x1  }
0x8a: {  	s1 =	srdreg.scid  }
0x8b: {  	s0 =	sand.u32 $0x1, s1  }
0x8c: {  	s17 =	sshll.u32 s0, $0xA;
	s2 =	sadd.s32 s3, s2  }
0x8d: {  	s2 =	sadd.s32 s2, s17  }
0x8e: {  	[smem:$0x3FC2] =	sst s2  }
0x8f: {  	_ = 	snop  }
0x90: {  	s2 =	sld [smem:$0x3FD0];
	(tm) =	ssettm $0x1  }
0x91: {  	s18 =	sld [smem:$0x3FFB];
	_ =	sdelay $0x3  }
0x92: {  	_ =	strace s18  }
0x93: {  	s3 =	sld [smem:$0x3FFC];
	_ =	sdelay $0x3  }
0x94: {  	_ =	strace s3  }
0x95: {  	s3 =	sld [smem:$0x3FFD];
	_ =	sdelay $0x3  }
0x96: {  	_ =	strace s3  }
0x97: {  	_ =	strace $0x8FFFFFFF  }
0x98: {  	s19 =	sld [smem:$0x3FDB];
	_ =	sdelay $0x1  }
0x99: {  	s4 =	simm.s32 $_scs_section_size  }
0x9a: {  	s5 =	simm.s32 $_size__tile_overlayer_lowered;
	s6 =	simm.s32 $_tile_overlayer_lowered  }
0x9b: {  	s22 =	simm.s32 $0x1BFF;
	s21 =	sshll.u32 s6, $0x1;
	s3 =	sadd.s32 s4, s19  }
0x9c: {  	s7 =	simm.s32 $0x0;
	s20 =	sshll.u32 s5, $0x1;
	s5 =	sadd.s32 s21, s3  }
0x9d: {  	[timem:s7], [sflag:s22] =	dma.local [hbm:s5], s20  }
0x9e: {  	_ =	swait.ge [sflag:s22], s20  }
0x9f: {  	s4 =	ssub.s32 $0x0, s20;
	[sflag:s22] =	ssyncset.done $0x0  }
0xa0: {  	[sflag:s22] =	ssyncadd.s32 s4;
	_ =	sdelay $0x1  }
0xa1: {  	s23 =	simm.s32 $0x1B8B  }
0xa2: {  	_ =	swait.ge [sflag:s23], $0x1  }
0xa3: {  	[sflag:s23] =	ssyncset.done $0x0  }
0xa4: {  	s25 =	simm.s32 $0x1B8E;
	s24 =	sld [smem:$0x3FFE];
	[sflag:s23] =	ssyncadd.s32 $0xFFFFFFFF  }
0xa5: {  	s26 =	simm.s32 $execute0_lowered;
	[smem:$0x3FD2] =	sst s25  }
0xa6: {  	s5 =	sshll.u32 s26, $0x1;
	_ =	strace $0x8000004C;
	[dreg:$0x1] =	wrdreg $0xFFFFFFFF  }
0xa7: {  	s28 =	simm.s32 $_size_execute0_lowered;
	s3 =	sadd.s32 s3, s5;
	[dreg:$0x0] =	wrdreg $0x0  }
0xa8: {  	s5 =	sshll.u32 s28, $0x1;
	[dreg:$0x2] =	wrdreg s3  }
0xa9: {  	[dreg:$0x3] =	wrdreg s5  }
0xaa: {  	[dreg:$0x4] =	wrdreg $0xC0  }
0xab: {  	_ =	task [dreg:s7], $0x5FFFF  }
0xac: {  	[dreg:$0x1] =	wrdreg $0xFFFFFFFF  }
0xad: {  	[dreg:$0x0] =	wrdreg $0x60  }
0xae: {  	[dreg:$0x2] =	wrdreg s2  }
0xaf: {  	[dreg:$0x3] =	wrdreg s24  }
0xb0: {  	[dreg:$0x4] =	wrdreg $0xB7800  }
0xb1: {  	[dreg:$0x5] =	wrdreg $0x9  }
0xb2: {  	_ =	task.clear_ibuf [dreg:s7], $0x6FFFF;
	_ =	strace $0x9000004C  }
0xb3: {  	s29 =	simm.s32 $0x9;
	_ =	strace $0x8000004E  }
0xb4: {  	_ =	swait.ge [sflag:s29], $0x1  }
0xb5: {  	[sflag:s29] =	ssyncadd.s32 $0xFFFFFFFF  }
0xb6: {  	_ =	strace $0x9000004E  }
0xb7: {  	_ =	sfence  }
0xb8: {  	s30 =	sld [smem:$0x0];
	_ =	sdelay $0x2  }
0xb9: {  	s31 =	sshll.u32 s1, $0xD;
	s1 =	sshrl.u32 s1, $0x2  }
0xba: {  	s3 =	sand.u32 $0x4000, s31;
	s1 =	sadd.s32 s1, s30  }
0xbb: {  	s0 =	sor.u32 s3, s0;
	s1 =	sshll.u32 s1, $0x11  }
0xbc: {  	s0 =	sor.u32 s1, s0  }
0xbd: {  	s0 =	sadd.s32 $0x8F2B, s0  }
0xbe: {  	[sflag:s0] =	ssyncadd.remote.s32 $0x1  }
0xbf: {  	_ =	sfence.sel $0xFFFF  }
0xc0: {  	[dreg:$0x0] =	wrdreg $0xFFFFFFFF;
	(pc) =	sbr.abs _section_cstart, $3  }
0xc1: {  	[dreg:$0x1] =	wrdreg $0xFFFFFFFF  }
0xc2: {  	_ =	task.clear_ibuf [dreg:s7], $0x2FFFF;
	_ =	strace $0x9FFFFFFF  }
0xc3: {  	(tm) =	ssettm $0x7FFFFFFF  }
tec
execute0_lowered:
.L_overlay_start_1:
0x0: {  	(tag) =	ssettag $0x1  }
0x1: {  	s1 =	rddreg [dreg:$0x0]  }
0x2: {  	s0 =	srdreg.scid;
	s6 =	rddreg [dreg:$0x1]  }
0x3: {  	s19 =	stileid.u32;
	s3 =	rddreg [dreg:$0x2];
	s20 =	simm.s32 $0x3  }
0x4: {  	s22 =	simm.s32 $0x6780;
	s28 =	simm.s32 $0x1;
	s29 =	simm.s32 $0x8F80  }
0x5: {  	s30 =	simm.s32 $0x2;
	s31 =	simm.s32 $0x6580;
	s9 =	smul.u32 $0x4E000, s19  }
0x6: {  	s0 =	sand.u32 $0x1, s0;
	s2 =	sshll.u32 s19, $0x1;
	s10 =	smul.u32 $0x50000, s19  }
0x7: {  	s4 =	sshrl.u32 s19, $0x2;
	s18 =	smul.u32 $0x2700, s19;
	p0 =	sne.s32 s19, $0xF  }
0x8: {  	s2 =	sor.u32 s0, s2;
	s5 =	smul.u32 $0x13C00, s4;
	s4 =	simm.s32 $0x0  }
0x9: {  	s8 =	smul.u32 $0x27100, s0;
	s0 =	ssub.s32 $0x2, s0;
	s7 =	sshll.u32 s2, $0x7  }
0xa: {  	[smem:$0x7FF] =	sst s4;
	s2 =	sshll.u32 s2, $0xB;
	s24 =	sshrl.u32 s0, $0x1  }
0xb: {  	s25 =	sshrl.u32 s9, $0x2;
	s26 =	sshrl.u32 s10, $0x2;
	s7 =	sand.u32 $0x380, s7  }
0xc: {  	_ =	strace $0x8000004D;
	s2 =	sadd.s32 s2, s6;
	s8 =	sadd.s32 s8, s6  }
0xd: {  	s0 =	ssub.s32 s0, s24;
	s9 =	sadd.s32 s26, s3;
	s26 =	simm.s32 $0x50  }
0xe: {  	s5 =	sor.u32 s5, s7;
	s7 =	sadd.s32 $0x2600, s2;
	s8 =	sadd.s32 $0x12C00, s8  }
0xf: {  	s2 =	sadd.s32 s25, s3;
	s25 =	sadd.s32 $0x138000, s3;
	s10 =	smax.u32 s0, $0x1  }
0x10: {  	s11 =	sadd.s32 $0x2800, s9;
	s12 =	sadd.s32 $0x5000, s9;
	s13 =	sadd.s32 $0x7800, s9  }
0x11: {  	s14 =	sadd.s32 $0xA000, s9;
	s15 =	sadd.s32 $0xC800, s9;
	s16 =	sadd.s32 $0xF000, s9  }
0x12: {  	s17 =	sadd.s32 $0x11800, s9;
	s5 =	sshrl.u32 s5, $0x3;
	s24 =	sshrl.u32 s2, $0x3  }
0x13: {  	s25 =	sshrl.u32 @!p0 s25, $0x3;
	s2 =	simm.s32 $0x0;
	s23 =	sadd.s32 s5, s6  }
0x14: {  	s5 =	sadd.s32 $0x12600, s6;
	s6 =	sadd.s32 $0x60E00, s23;
	s23 =	sadd.s32 s18, s8  }
.LBB2_1:
0x15: {  	s0 =	simm.s32 $0x80;
	s18 =	simm.s32 $0x400  }
0x16: {  	[tilespmem:s4], [sflag:$0x3] =	stream.strided.gather [hbm4b:s6+s0], $0x2780, s18, s0, $0x38;
	[tilespmem:$0x1F780] =	vst v63  }
0x17: {  	_ =	swait.ge [sflag:s20], $0x2780  }
0x18: {  	[sflag:s20] =	ssyncset.done $0x0  }
0x19: {  	s21 =	simm.s32 $0x2780;
	[sflag:s20] =	ssyncadd.s32 $0xFFFFD880  }
0x1a: {  	[tilespmem:s21], [sflag:$0x3] =	stream.linear.gather [hbm4b:s7+s4], $0x3E80, $0x38;
	[tilespmem:$0x1F780] =	vst v63  }
0x1b: {  	_ =	swait.ge [sflag:s20], $0x3E80  }
0x1c: {  	[sflag:s20] =	ssyncset.done $0x0  }
0x1d: {  	[sflag:s20] =	ssyncadd.s32 $0xFFFFC180  }
0x1e: {  	[tilespmem:s22], [sflag:$0x3] =	stream.linear.gather [hbm4b:s5+s4], $0x2800, $0x38;
	[tilespmem:$0x1F780] =	vst v63  }
0x1f: {  	_ =	swait.ge [sflag:s20], $0x2800  }
0x20: {  	[sflag:s20] =	ssyncset.done $0x0  }
0x21: {  	[sflag:s20] =	ssyncadd.s32 $0xFFFFD800  }
0x22: {  	[spmem:s9] =	stream.linear.scatter [tilespmem:s22], [sflag:$0x3], $0x2800, $0x38;
	[tilespmem:$0x1F780] =	vst v63  }
0x23: {  	_ =	swait.ge [sflag:s20], $0x2800  }
0x24: {  	[sflag:s20] =	ssyncset.done $0x0  }
0x25: {  	[sflag:s20] =	ssyncadd.s32 $0xFFFFD800  }
0x26: {  	[spmem:s11] =	stream.linear.scatter [tilespmem:s22], [sflag:$0x3], $0x2800, $0x38;
	[tilespmem:$0x1F780] =	vst v63  }
0x27: {  	_ =	swait.ge [sflag:s20], $0x2800  }
0x28: {  	[sflag:s20] =	ssyncset.done $0x0  }
0x29: {  	[sflag:s20] =	ssyncadd.s32 $0xFFFFD800  }
0x2a: {  	[spmem:s12] =	stream.linear.scatter [tilespmem:s22], [sflag:$0x3], $0x2800, $0x38;
	[tilespmem:$0x1F780] =	vst v63  }
0x2b: {  	_ =	swait.ge [sflag:s20], $0x2800  }
0x2c: {  	[sflag:s20] =	ssyncset.done $0x0  }
0x2d: {  	[sflag:s20] =	ssyncadd.s32 $0xFFFFD800  }
0x2e: {  	[spmem:s13] =	stream.linear.scatter [tilespmem:s22], [sflag:$0x3], $0x2800, $0x38;
	[tilespmem:$0x1F780] =	vst v63  }
0x2f: {  	_ =	swait.ge [sflag:s20], $0x2800  }
0x30: {  	[sflag:s20] =	ssyncset.done $0x0  }
0x31: {  	[sflag:s20] =	ssyncadd.s32 $0xFFFFD800  }
0x32: {  	[spmem:s14] =	stream.linear.scatter [tilespmem:s22], [sflag:$0x3], $0x2800, $0x38;
	[tilespmem:$0x1F780] =	vst v63  }
0x33: {  	_ =	swait.ge [sflag:s20], $0x2800  }
0x34: {  	[sflag:s20] =	ssyncset.done $0x0  }
0x35: {  	[sflag:s20] =	ssyncadd.s32 $0xFFFFD800  }
0x36: {  	[spmem:s15] =	stream.linear.scatter [tilespmem:s22], [sflag:$0x3], $0x2800, $0x38;
	[tilespmem:$0x1F780] =	vst v63  }
0x37: {  	_ =	swait.ge [sflag:s20], $0x2800  }
0x38: {  	[sflag:s20] =	ssyncset.done $0x0  }
0x39: {  	[sflag:s20] =	ssyncadd.s32 $0xFFFFD800  }
0x3a: {  	[spmem:s16] =	stream.linear.scatter [tilespmem:s22], [sflag:$0x3], $0x2800, $0x38;
	[tilespmem:$0x1F780] =	vst v63  }
0x3b: {  	_ =	swait.ge [sflag:s20], $0x2800  }
0x3c: {  	[sflag:s20] =	ssyncset.done $0x0  }
0x3d: {  	[sflag:s20] =	ssyncadd.s32 $0xFFFFD800  }
0x3e: {  	[spmem:s17] =	stream.linear.scatter [tilespmem:s22], [sflag:$0x3], $0x2800, $0x38;
	[tilespmem:$0x1F780] =	vst v63  }
0x3f: {  	_ =	swait.ge [sflag:s20], $0x2800  }
0x40: {  	[sflag:s20] =	ssyncset.done $0x0  }
0x41: {  	[sflag:s20] =	ssyncadd.s32 $0xFFFFD800  }
0x42: {  	[bflag:$0x0] =	sbarrier.arrive $0xFFFF  }
0x43: {  	[tilespmem:s22], [sflag:$0x1] =	stream.indirect.gather [hbm4b:s1+s26], $0x80, s4, s26, $0xb8;
	[tilespmem:$0x1F780] =	vst v63  }
0x44: {  	_ =	swait.ge [sflag:s28], $0x2800  }
0x45: {  	[sflag:s28] =	ssyncset.done $0x0  }
0x46: {  	s18 =	simm.s32 $0x50;
	[sflag:s28] =	ssyncadd.s32 $0xFFFFD800  }
0x47: {  	[tilespmem:s29], [sflag:$0x2] =	stream.indirect.gather [hbm4b:s1+s26], $0x80, s18, s26, $0xb8;
	[tilespmem:$0x1F780] =	vst v63  }
0x48: {  	s19 =	simm.s32 $0x2780  }
0x49: {  	[spmem:s3] =	stream.indirect.scatter.add.f32 [tilespmem:s22], [sflag:$0x3], $0x80, s19, s26, $0xb8;
	[tilespmem:$0x1F780] =	vst v63  }
0x4a: {  	_ =	swait.ge [sflag:s20], $0x2800  }
0x4b: {  	[sflag:s20] =	ssyncset.done $0x0  }
0x4c: {  	[sflag:s20] =	ssyncadd.s32 $0xFFFFD800  }
0x4d: {  	_ =	swait.ge [sflag:s30], $0x2800  }
0x4e: {  	[sflag:s30] =	ssyncset.done $0x0  }
0x4f: {  	s0 =	simm.s32 $0xA0;
	[sflag:s30] =	ssyncadd.s32 $0xFFFFD800  }
0x50: {  	[tilespmem:s22], [sflag:$0x1] =	stream.indirect.gather [hbm4b:s1+s26], $0x80, s0, s26, $0xb8;
	[tilespmem:$0x1F780] =	vst v63  }
0x51: {  	s21 =	simm.s32 $0x2800  }
0x52: {  	[spmem:s3] =	stream.indirect.scatter.add.f32 [tilespmem:s29], [sflag:$0x3], $0x80, s21, s26, $0xb8;
	[tilespmem:$0x1F780] =	vst v63  }
0x53: {  	_ =	swait.ge [sflag:s20], $0x2800  }
0x54: {  	s18 =	simm.s32 $0x400;
	[sflag:s20] =	ssyncset.done $0x0  }
.LBB2_2:
0x55: {  	p1 =	sne.s32 s18, $0xF400;
	[sflag:s20] =	ssyncadd.s32 $0xFFFFD800;
	s0 =	sadd.s32 $0xA0, s0  }
0x56: {  	s19 =	smov.u32 s18;
	s18 =	sadd.s32 $0x400, s18  }
0x57: {  	_ =	swait.ge [sflag:s28], $0x2800  }
0x58: {  	[sflag:s28] =	ssyncset.done $0x0  }
0x59: {  	s21 =	sadd.s32 $0xFFFFFFB0, s0;
	s19 =	sshra.s32 s19, $0x2;
	[sflag:s28] =	ssyncadd.s32 $0xFFFFD800  }
0x5a: {  	[tilespmem:s29], [sflag:$0x2] =	stream.indirect.gather [hbm4b:s1+s26], $0x80, s21, s26, $0xb8;
	[tilespmem:$0x1F780] =	vst v63  }
0x5b: {  	s21 =	sadd.s32 $0x2780, s19  }
0x5c: {  	[spmem:s3] =	stream.indirect.scatter.add.f32 [tilespmem:s22], [sflag:$0x3], $0x80, s21, s26, $0xb8;
	[tilespmem:$0x1F780] =	vst v63  }
0x5d: {  	_ =	swait.ge [sflag:s20], $0x2800  }
0x5e: {  	[sflag:s20] =	ssyncset.done $0x0  }
0x5f: {  	[sflag:s20] =	ssyncadd.s32 $0xFFFFD800  }
0x60: {  	_ =	swait.ge [sflag:s30], $0x2800  }
0x61: {  	[sflag:s30] =	ssyncset.done $0x0  }
0x62: {  	[sflag:s30] =	ssyncadd.s32 $0xFFFFD800  }
0x63: {  	[tilespmem:s22], [sflag:$0x1] =	stream.indirect.gather [hbm4b:s1+s26], $0x80, s0, s26, $0xb8;
	[tilespmem:$0x1F780] =	vst v63  }
.Ltmp0:
0x64: {  	_ = 	snop;
	(pc) =	sbr.rel @p1 .LBB2_2-.Ltmp0, $4  }
0x65: {  	s19 =	sadd.s32 $0x2800, s19  }
0x66: {  	[spmem:s3] =	stream.indirect.scatter.add.f32 [tilespmem:s29], [sflag:$0x3], $0x80, s19, s26, $0xb8;
	[tilespmem:$0x1F780] =	vst v63  }
0x67: {  	_ =	swait.ge [sflag:s20], $0x2800  }
0x68: {  	[sflag:s20] =	ssyncset.done $0x0  }
0x69: {  	[sflag:s20] =	ssyncadd.s32 $0xFFFFD800  }
0x6a: {  	_ =	swait.ge [sflag:s28], $0x2800  }
0x6b: {  	[sflag:s28] =	ssyncset.done $0x0  }
0x6c: {  	[sflag:s28] =	ssyncadd.s32 $0xFFFFD800  }
0x6d: {  	[spmem:s3] =	stream.indirect.scatter.add.f32 [tilespmem:s22], [sflag:$0x3], $0x80, s31, s26, $0xb8;
	[tilespmem:$0x1F780] =	vst v63  }
0x6e: {  	_ =	swait.ge [sflag:s20], $0x2800  }
0x6f: {  	s0 =	stileid.u32;
	[sflag:s20] =	ssyncset.done $0x0  }
0x70: {  	s0 =	sshll.u32 s0, $0x6;
	[sflag:s20] =	ssyncadd.s32 $0xFFFFD800  }
0x71: {  	s0 =	sor.u32 $0x1C03, s0;
	[bflag:$0x0] =	sbarrier.arrive $0xFFFF  }
0x72: {  	[hbm:s23], [sflag:s0] =	dma.local [spmem:s24], $0x2700  }
0x73: {  	_ =	swait.ge [sflag:s20], $0x2700  }
0x74: {  	s2 =	sadd.s32 $0x1, s2;
	[sflag:s20] =	ssyncset.done $0x0  }
0x75: {  	s18 =	sadd.s32 @!p0 $0x27000, s8;
	p1 =	sne.s32 s2, s10;
	[sflag:s20] =	ssyncadd.s32 $0xFFFFD900  }
0x76: {  	[hbm:s18], [sflag:s0] =	dma.local @!p0 [spmem:s25], $0x100  }
.Ltmp1:
0x77: {  	_ = 	snop;
	(pc) =	sbr.rel @p1 .LBB2_1-.Ltmp1, $4  }
0x78: {  	s0 =	simm.s32 @!p0 $0x3  }
0x79: {  	_ =	swait.ge @!p0 [sflag:s0], $0x100  }
0x7a: {  	[sflag:s0] =	ssyncset.done @!p0 $0x0  }
0x7b: {  	[sflag:s0] =	ssyncadd.s32 @!p0 $0xFFFFFF00  }
0x7c: {  	_ =	sfence.sel $0x180000  }
0x7d: {  	[bflag:$0x0] =	sbarrier.arrive $0xFFFF  }
0x7e: {  	_ =	strace $0x9000004D  }
0x7f: {  	s0 =	stileid.u32;
	[bflag:$0x2] =	sbarrier.arrive $0xFFFF  }
0x80: {  	p0 =	sne.s32 s0, $0x0;
	s0 =	rddreg [dreg:$0x3]  }
0x81: {  	s0 =	sadd.s32 @!p0 $0x100000, s0  }
0x82: {  	[sflag:s0] =	ssyncadd.tile.s32 @!p0 $0x1;
	_ =	shalt  }
.Lfunc_end2:
_tile_overlayer_lowered:
.L_overlay_start_2:
0x83: {  	(tag) =	ssettag $0x2  }
0x84: {  	s0 =	rddreg [dreg:$0x0];
	s2 =	stileid.u32  }
0x85: {  	s1 =	rddreg [dreg:$0x1];
	p0 =	sne.s32 s2, $0x0  }
0x86: {  	s3 =	rddreg [dreg:$0x2];
	[bflag:$0x3] =	sbarrier.arrive $0xFFFF;
	s2 =	simm.s32 @!p0 $0x1C03  }
0x87: {  	[timem:s3], [sflag:s2] =	dma.local @!p0 [hbm:s0], s1  }
0x88: {  	s0 =	simm.s32 @!p0 $0x3  }
0x89: {  	_ =	swait.ge @!p0 [sflag:s0], s1  }
0x8a: {  	s1 =	ssub.s32 @!p0 $0x0, s1;
	[sflag:s0] =	ssyncset.done @!p0 $0x0  }
0x8b: {  	[sflag:s0] =	ssyncadd.s32 @!p0 s1  }
0x8c: {  	[bflag:$0x3] =	sbarrier.arrive $0xFFFF  }
0x8d: {  	_ =	shalt  }

// kernel: kernel.8.cloned.1.call-start
scs
__scs_entry_jumppad:
0x0: {  	(pc) =	sbr.rel $0x88, $3  }
0x1: {  	(tag) =	ssettag $0x0;
	lr =	simm.s32 $0x1  }
0x2: {  	[smem:$0x3F9B] =	sst lr;
	_ =	strace $0xD0000000  }
0x3: {  	_ = 	snop  }
0x4: {  	_ = 	snop  }
0x5: {  	_ = 	snop  }
0x6: {  	_ = 	snop  }
0x7: {  	_ = 	snop  }
__scs_overlays_trampoline_lowered:
0x8: {  	[smem:$0x3FAA] =	sst s0  }
0x9: {  	[smem:$0x3FAB] =	sst s1  }
0xa: {  	[smem:$0x3FAC] =	sst s2  }
0xb: {  	[smem:$0x3FAD] =	sst s3  }
0xc: {  	[smem:$0x3FAE] =	sst s4  }
0xd: {  	[smem:$0x3FAF] =	sst s5  }
0xe: {  	[smem:$0x3FB0] =	sst s6  }
0xf: {  	[smem:$0x3FB1] =	sst s7  }
0x10: {  	[smem:$0x3FB2] =	sst s8  }
0x11: {  	[smem:$0x3FB3] =	sst s9;
	s0 =	simm.s32 @!p0 $0x0  }
0x12: {  	s1 =	sld [smem:$0x3F99];
	s0 =	simm.s32 @p0 $0x1  }
0x13: {  	[smem:$0x3FB4] =	sst s0;
	s0 =	simm.s32 @!p1 $0x0  }
0x14: {  	s2 =	sld [smem:$0x3F98];
	s0 =	simm.s32 @p1 $0x1  }
0x15: {  	[smem:$0x3FB5] =	sst s0;
	s0 =	simm.s32 @!p2 $0x0  }
0x16: {  	s3 =	sld [smem:$0x3FDB];
	s0 =	simm.s32 @p2 $0x1  }
0x17: {  	s4 =	simm.s32 $0x1BF5;
	[smem:$0x3FB7] =	sst s0  }
0x18: {  	s0 =	sld [smem:$0x3F9A];
	_ =	swait.ge [sflag:s4], $0x0  }
0x19: {  	s7 =	sld [smem:$0x3F9B]  }
0x1a: {  	s8 =	sadd.s32 $0xFFFFE003, lr  }
0x1b: {  	s9 =	sadd.s32 $0xFFFFFEF7, lr;
	s5 =	simm.s32 $0xFFFFFFFF;
	p2 =	slt.u32 s8, $0xFFFFF086  }
0x1c: {  	p1 =	slt.u32 s9, $0xF7A;
	s5 =	simm.s32 @!p2 $0x0  }
0x1d: {  	s5 =	simm.s32 @p1 $0x1;
	p0 =	seq.s32 s7, s2  }
0x1e: {  	s7 =	smul.u32 @!p0 $0xF7A, s2;
	p2 =	seq.s32 @!p0 s5, $0x0  }
0x1f: {  	s9 =	smul.u32 $0xF7A, s1;
	s8 =	simm.s32 @!p0 $0x1BF5;
	p2 =	por !p2, p0  }
0x20: {  	[sflag:s8] =	ssyncset.s32 @!p0 $0xFFFFF086;
	s6 =	sadd.s32 @!p0 s3, s7;
	s7 =	simm.s32 @!p0 $0x108  }
0x21: {  	s3 =	sadd.s32 s3, s9;
	s6 =	sadd.s32 @!p0 $0x88, s6;
	s7 =	simm.s32 @p2 $0x1082  }
0x22: {  	[simem:s7], [sflag:s8] =	dma.local @!p0 [hbm:s6], $0xF7A  }
0x23: {  	s9 =	sor.u32 $0xD0000000, s2;
	s6 =	simm.s32 $0x108;
	_ =	swait.ge @!p0 [sflag:s8], $0x0  }
0x24: {  	s3 =	sadd.s32 $0x88, s3;
	s6 =	simm.s32 @!p1 $0x1082;
	[sflag:s4] =	ssyncset.s32 $0xFFFFF086  }
0x25: {  	[simem:s6], [sflag:s4] =	dma.local [hbm:s3], $0xF7A  }
0x26: {  	[smem:$0x3F9B] =	sst s1;
	(tag) =	ssettag s2;
	_ =	strace s9  }
0x27: {  	s1 =	sld [smem:$0x3FAB]  }
0x28: {  	s2 =	sld [smem:$0x3FAC]  }
0x29: {  	s4 =	sld [smem:$0x3FAE]  }
0x2a: {  	p0 =	seq.s32 s5, $0x0;
	s5 =	sld [smem:$0x3FAF]  }
0x2b: {  	s6 =	sld [smem:$0x3FB0]  }
0x2c: {  	s7 =	sld [smem:$0x3FB1]  }
0x2d: {  	s3 =	simm.s32 $0x108;
	s8 =	sld [smem:$0x3FB2]  }
0x2e: {  	s3 =	simm.s32 @!p0 $0x1082;
	s9 =	sld [smem:$0x3FB3]  }
0x2f: {  	lr =	sadd.s32 s0, s3;
	s0 =	sld [smem:$0x3FAA]  }
0x30: {  	s3 =	sld [smem:$0x3FAD]  }
0x31: {  	[smem:$0x3FB6] =	sst s10  }
0x32: {  	s10 =	sld [smem:$0x3FB4];
	_ =	sdelay $0x3  }
0x33: {  	p0 =	seq.s32 s10, $0x1;
	s10 =	sld [smem:$0x3FB6];
	_ =	sdelay $0x3  }
0x34: {  	[smem:$0x3FB6] =	sst s10  }
0x35: {  	s10 =	sld [smem:$0x3FB5];
	_ =	sdelay $0x3  }
0x36: {  	p1 =	seq.s32 s10, $0x1;
	s10 =	sld [smem:$0x3FB6];
	_ =	sdelay $0x3  }
0x37: {  	[smem:$0x3FB6] =	sst s10  }
0x38: {  	s10 =	sld [smem:$0x3FB7]  }
0x39: {  	_ = 	snop;
	(pc) =	sbr.ind lr, $3  }
0x3a: {  	_ = 	snop  }
0x3b: {  	_ = 	snop  }
0x3c: {  	p2 =	seq.s32 s10, $0x1;
	s10 =	sld [smem:$0x3FB6]  }
0x3d: {  	_ =	shalt  }
0x3e: {  	_ =	shalt  }
0x3f: {  	_ =	shalt  }
0x40: {  	_ =	shalt  }
0x41: {  	_ =	shalt  }
0x42: {  	_ =	shalt  }
0x43: {  	_ =	shalt  }
0x44: {  	_ =	shalt  }
0x45: {  	_ =	shalt  }
0x46: {  	_ =	shalt  }
0x47: {  	_ =	shalt  }
0x48: {  	_ =	shalt  }
0x49: {  	_ =	shalt  }
0x4a: {  	_ =	shalt  }
0x4b: {  	_ =	shalt  }
0x4c: {  	_ =	shalt  }
0x4d: {  	_ =	shalt  }
0x4e: {  	_ =	shalt  }
0x4f: {  	_ =	shalt  }
0x50: {  	_ =	shalt  }
0x51: {  	_ =	shalt  }
0x52: {  	_ =	shalt  }
0x53: {  	_ =	shalt  }
0x54: {  	_ =	shalt  }
0x55: {  	_ =	shalt  }
0x56: {  	_ =	shalt  }
0x57: {  	_ =	shalt  }
0x58: {  	_ =	shalt  }
0x59: {  	_ =	shalt  }
0x5a: {  	_ =	shalt  }
0x5b: {  	_ =	shalt  }
0x5c: {  	_ =	shalt  }
0x5d: {  	_ =	shalt  }
0x5e: {  	_ =	shalt  }
0x5f: {  	_ =	shalt  }
0x60: {  	_ =	shalt  }
0x61: {  	_ =	shalt  }
0x62: {  	_ =	shalt  }
0x63: {  	_ =	shalt  }
0x64: {  	_ =	shalt  }
0x65: {  	_ =	shalt  }
0x66: {  	_ =	shalt  }
0x67: {  	_ =	shalt  }
0x68: {  	_ =	shalt  }
0x69: {  	_ =	shalt  }
0x6a: {  	_ =	shalt  }
0x6b: {  	_ =	shalt  }
0x6c: {  	_ =	shalt  }
0x6d: {  	_ =	shalt  }
0x6e: {  	_ =	shalt  }
0x6f: {  	_ =	shalt  }
0x70: {  	_ =	shalt  }
0x71: {  	_ =	shalt  }
0x72: {  	_ =	shalt  }
0x73: {  	_ =	shalt  }
0x74: {  	_ =	shalt  }
0x75: {  	_ =	shalt  }
0x76: {  	_ =	shalt  }
0x77: {  	_ =	shalt  }
0x78: {  	_ =	shalt  }
0x79: {  	_ =	shalt  }
0x7a: {  	_ =	shalt  }
0x7b: {  	_ =	shalt  }
0x7c: {  	_ =	shalt  }
0x7d: {  	_ =	shalt  }
0x7e: {  	_ =	shalt  }
0x7f: {  	_ =	shalt  }
0x80: {  	_ =	shalt  }
0x81: {  	_ =	shalt  }
0x82: {  	_ =	shalt  }
0x83: {  	_ =	shalt  }
0x84: {  	_ =	shalt  }
0x85: {  	_ =	shalt  }
0x86: {  	_ =	shalt  }
0x87: {  	_ =	shalt  }
.Lfunc_end0:
.L_simem_size_0:
called_computation_lowered:
.L_overlay_start_0:
0x88: {  	s2 =	sld [smem:$0x3FD9]  }
0x89: {  	s3 =	sld [smem:$0x3FFE];
	_ =	sdelay $0x1  }
0x8a: {  	s1 =	srdreg.scid  }
0x8b: {  	s0 =	sand.u32 $0x1, s1  }
0x8c: {  	s17 =	sshll.u32 s0, $0xA;
	s2 =	sadd.s32 s3, s2  }
0x8d: {  	s2 =	sadd.s32 s2, s17  }
0x8e: {  	[smem:$0x3FC2] =	sst s2  }
0x8f: {  	_ = 	snop  }
0x90: {  	s2 =	sld [smem:$0x3FD0];
	(tm) =	ssettm $0x1  }
0x91: {  	s18 =	sld [smem:$0x3FFB];
	_ =	sdelay $0x3  }
0x92: {  	_ =	strace s18  }
0x93: {  	s3 =	sld [smem:$0x3FFC];
	_ =	sdelay $0x3  }
0x94: {  	_ =	strace s3  }
0x95: {  	s3 =	sld [smem:$0x3FFD];
	_ =	sdelay $0x3  }
0x96: {  	_ =	strace s3  }
0x97: {  	_ =	strace $0x8FFFFFFF  }
0x98: {  	s19 =	sld [smem:$0x3FDB];
	_ =	sdelay $0x1  }
0x99: {  	s4 =	simm.s32 $_scs_section_size  }
0x9a: {  	s5 =	simm.s32 $_size__tile_overlayer_lowered;
	s6 =	simm.s32 $_tile_overlayer_lowered  }
0x9b: {  	s22 =	simm.s32 $0x1BFF;
	s21 =	sshll.u32 s6, $0x1;
	s3 =	sadd.s32 s4, s19  }
0x9c: {  	s7 =	simm.s32 $0x0;
	s20 =	sshll.u32 s5, $0x1;
	s5 =	sadd.s32 s21, s3  }
0x9d: {  	[timem:s7], [sflag:s22] =	dma.local [hbm:s5], s20  }
0x9e: {  	_ =	swait.ge [sflag:s22], s20  }
0x9f: {  	s4 =	ssub.s32 $0x0, s20;
	[sflag:s22] =	ssyncset.done $0x0  }
0xa0: {  	[sflag:s22] =	ssyncadd.s32 s4;
	_ =	sdelay $0x1  }
0xa1: {  	s23 =	simm.s32 $0x1B8B  }
0xa2: {  	_ =	swait.ge [sflag:s23], $0x1  }
0xa3: {  	[sflag:s23] =	ssyncset.done $0x0  }
0xa4: {  	s25 =	simm.s32 $0x1B8E;
	s24 =	sld [smem:$0x3FFE];
	[sflag:s23] =	ssyncadd.s32 $0xFFFFFFFF  }
0xa5: {  	s26 =	simm.s32 $execute0_lowered;
	[smem:$0x3FD2] =	sst s25  }
0xa6: {  	s5 =	sshll.u32 s26, $0x1;
	_ =	strace $0x80000046;
	[dreg:$0x1] =	wrdreg $0xFFFFFFFF  }
0xa7: {  	s28 =	simm.s32 $_size_execute0_lowered;
	s3 =	sadd.s32 s3, s5;
	[dreg:$0x0] =	wrdreg $0x0  }
0xa8: {  	s5 =	sshll.u32 s28, $0x1;
	[dreg:$0x2] =	wrdreg s3  }
0xa9: {  	[dreg:$0x3] =	wrdreg s5  }
0xaa: {  	[dreg:$0x4] =	wrdreg $0xC0  }
0xab: {  	_ =	task [dreg:s7], $0x5FFFF  }
0xac: {  	[dreg:$0x1] =	wrdreg $0xFFFFFFFF  }
0xad: {  	[dreg:$0x0] =	wrdreg $0x60  }
0xae: {  	[dreg:$0x2] =	wrdreg s24  }
0xaf: {  	[dreg:$0x3] =	wrdreg s2  }
0xb0: {  	[dreg:$0x4] =	wrdreg $0x68000  }
0xb1: {  	[dreg:$0x5] =	wrdreg $0x9  }
0xb2: {  	_ =	task.clear_ibuf [dreg:s7], $0x6FFFF;
	_ =	strace $0x90000046  }
0xb3: {  	s29 =	simm.s32 $0x9;
	_ =	strace $0x80000048  }
0xb4: {  	_ =	swait.ge [sflag:s29], $0x1  }
0xb5: {  	[sflag:s29] =	ssyncadd.s32 $0xFFFFFFFF  }
0xb6: {  	_ =	strace $0x90000048  }
0xb7: {  	_ =	sfence  }
0xb8: {  	s30 =	sld [smem:$0x0];
	_ =	sdelay $0x2  }
0xb9: {  	s31 =	sshll.u32 s1, $0xD;
	s1 =	sshrl.u32 s1, $0x2  }
0xba: {  	s3 =	sand.u32 $0x4000, s31;
	s1 =	sadd.s32 s1, s30  }
0xbb: {  	s0 =	sor.u32 s3, s0;
	s1 =	sshll.u32 s1, $0x11  }
0xbc: {  	s0 =	sor.u32 s1, s0  }
0xbd: {  	s0 =	sadd.s32 $0x8F2B, s0  }
0xbe: {  	[sflag:s0] =	ssyncadd.remote.s32 $0x1  }
0xbf: {  	_ =	sfence.sel $0xFFFF  }
0xc0: {  	[dreg:$0x0] =	wrdreg $0xFFFFFFFF;
	(pc) =	sbr.abs _section_cstart, $3  }
0xc1: {  	[dreg:$0x1] =	wrdreg $0xFFFFFFFF  }
0xc2: {  	_ =	task.clear_ibuf [dreg:s7], $0x2FFFF;
	_ =	strace $0x9FFFFFFF  }
0xc3: {  	(tm) =	ssettm $0x7FFFFFFF  }
tec
execute0_lowered:
.L_overlay_start_1:
0x0: {  	(tag) =	ssettag $0x1  }
0x1: {  	s4 =	rddreg [dreg:$0x0]  }
0x2: {  	s1 =	rddreg [dreg:$0x1]  }
0x3: {  	s2 =	rddreg [dreg:$0x2]  }
0x4: {  	s5 =	srdreg.scid;
	s3 =	simm.s32 $0x0;
	s17 =	simm.s32 $0x3  }
0x5: {  	s18 =	simm.s32 $0x4000;
	s19 =	simm.s32 $0x50;
	s20 =	simm.s32 $0x80  }
0x6: {  	s21 =	simm.s32 $0x1;
	s28 =	simm.s32 $0x3E00;
	s6 =	sand.u32 $0x1, s5  }
0x7: {  	s29 =	simm.s32 $0x0;
	s5 =	sshll.u32 s6, $0xB;
	s7 =	smul.u32 $0x27100, s6  }
0x8: {  	[smem:$0x7FF] =	sst s3;
	s6 =	ssub.s32 $0x2, s6;
	s8 =	sadd.s32 s5, s4  }
0x9: {  	s5 =	sadd.s32 $0x12600, s4;
	s7 =	sadd.s32 s7, s4;
	s4 =	stileid.u32  }
0xa: {  	_ =	strace $0x80000047;
	s9 =	sshrl.u32 s6, $0x1;
	s11 =	smul.u32 $0x4E000, s4  }
0xb: {  	s9 =	ssub.s32 s6, s9;
	s10 =	sshll.u32 s4, $0xC;
	s26 =	smul.u32 $0x50000, s4  }
0xc: {  	s7 =	sadd.s32 $0x12C00, s7;
	s22 =	smul.u32 $0x2700, s4;
	p0 =	sne.s32 s4, $0xF  }
0xd: {  	s23 =	sshll.u32 s4, $0x6;
	s25 =	sadd.s32 s10, s8;
	s8 =	smax.u32 s9, $0x1  }
0xe: {  	s23 =	sor.u32 $0x1C03, s23;
	s6 =	sadd.s32 $0x2600, s25;
	s30 =	sshrl.u32 s11, $0x2  }
0xf: {  	s31 =	sshrl.u32 s26, $0x2;
	s25 =	sadd.s32 $0x138000, s2;
	s22 =	sadd.s32 s22, s7  }
0x10: {  	s26 =	simm.s32 $0x2;
	s24 =	sadd.s32 s30, s2;
	s9 =	sadd.s32 s31, s2  }
0x11: {  	s25 =	sshrl.u32 @!p0 s25, $0x3;
	s10 =	sadd.s32 $0x2800, s9;
	s11 =	sadd.s32 $0x5000, s9  }
0x12: {  	s12 =	sadd.s32 $0x7800, s9;
	s13 =	sadd.s32 $0xA000, s9;
	s14 =	sadd.s32 $0xC800, s9  }
0x13: {  	s15 =	sadd.s32 $0xF000, s9;
	s16 =	sadd.s32 $0x11800, s9;
	s24 =	sshrl.u32 s24, $0x3  }
.LBB2_1:
0x14: {  	[tilespmem:s3], [sflag:$0x3] =	stream.linear.gather [hbm4b:s6+s3], $0x3E80, $0x38;
	[tilespmem:$0x1A800] =	vst v63  }
0x15: {  	_ =	swait.ge [sflag:s17], $0x3E80  }
0x16: {  	[sflag:s17] =	ssyncset.done $0x0  }
0x17: {  	[sflag:s17] =	ssyncadd.s32 $0xFFFFC180  }
0x18: {  	[tilespmem:s18], [sflag:$0x3] =	stream.linear.gather [hbm4b:s5+s3], $0x2800, $0x38;
	[tilespmem:$0x1A800] =	vst v63  }
0x19: {  	_ =	swait.ge [sflag:s17], $0x2800  }
0x1a: {  	[sflag:s17] =	ssyncset.done $0x0  }
0x1b: {  	[sflag:s17] =	ssyncadd.s32 $0xFFFFD800  }
0x1c: {  	[spmem:s9] =	stream.linear.scatter [tilespmem:s18], [sflag:$0x3], $0x2800, $0x38;
	[tilespmem:$0x1A800] =	vst v63  }
0x1d: {  	_ =	swait.ge [sflag:s17], $0x2800  }
0x1e: {  	[sflag:s17] =	ssyncset.done $0x0  }
0x1f: {  	[sflag:s17] =	ssyncadd.s32 $0xFFFFD800  }
0x20: {  	[spmem:s10] =	stream.linear.scatter [tilespmem:s18], [sflag:$0x3], $0x2800, $0x38;
	[tilespmem:$0x1A800] =	vst v63  }
0x21: {  	_ =	swait.ge [sflag:s17], $0x2800  }
0x22: {  	[sflag:s17] =	ssyncset.done $0x0  }
0x23: {  	[sflag:s17] =	ssyncadd.s32 $0xFFFFD800  }
0x24: {  	[spmem:s11] =	stream.linear.scatter [tilespmem:s18], [sflag:$0x3], $0x2800, $0x38;
	[tilespmem:$0x1A800] =	vst v63  }
0x25: {  	_ =	swait.ge [sflag:s17], $0x2800  }
0x26: {  	[sflag:s17] =	ssyncset.done $0x0  }
0x27: {  	[sflag:s17] =	ssyncadd.s32 $0xFFFFD800  }
0x28: {  	[spmem:s12] =	stream.linear.scatter [tilespmem:s18], [sflag:$0x3], $0x2800, $0x38;
	[tilespmem:$0x1A800] =	vst v63  }
0x29: {  	_ =	swait.ge [sflag:s17], $0x2800  }
0x2a: {  	[sflag:s17] =	ssyncset.done $0x0  }
0x2b: {  	[sflag:s17] =	ssyncadd.s32 $0xFFFFD800  }
0x2c: {  	[spmem:s13] =	stream.linear.scatter [tilespmem:s18], [sflag:$0x3], $0x2800, $0x38;
	[tilespmem:$0x1A800] =	vst v63  }
0x2d: {  	_ =	swait.ge [sflag:s17], $0x2800  }
0x2e: {  	[sflag:s17] =	ssyncset.done $0x0  }
0x2f: {  	[sflag:s17] =	ssyncadd.s32 $0xFFFFD800  }
0x30: {  	[spmem:s14] =	stream.linear.scatter [tilespmem:s18], [sflag:$0x3], $0x2800, $0x38;
	[tilespmem:$0x1A800] =	vst v63  }
0x31: {  	_ =	swait.ge [sflag:s17], $0x2800  }
0x32: {  	[sflag:s17] =	ssyncset.done $0x0  }
0x33: {  	[sflag:s17] =	ssyncadd.s32 $0xFFFFD800  }
0x34: {  	[spmem:s15] =	stream.linear.scatter [tilespmem:s18], [sflag:$0x3], $0x2800, $0x38;
	[tilespmem:$0x1A800] =	vst v63  }
0x35: {  	_ =	swait.ge [sflag:s17], $0x2800  }
0x36: {  	[sflag:s17] =	ssyncset.done $0x0  }
0x37: {  	[sflag:s17] =	ssyncadd.s32 $0xFFFFD800  }
0x38: {  	[spmem:s16] =	stream.linear.scatter [tilespmem:s18], [sflag:$0x3], $0x2800, $0x38;
	[tilespmem:$0x1A800] =	vst v63  }
0x39: {  	_ =	swait.ge [sflag:s17], $0x2800  }
0x3a: {  	[sflag:s17] =	ssyncset.done $0x0  }
0x3b: {  	[sflag:s17] =	ssyncadd.s32 $0xFFFFD800  }
0x3c: {  	[bflag:$0x0] =	sbarrier.arrive $0xFFFF  }
0x3d: {  	[tilespmem:s18], [sflag:$0x3] =	stream.linear.gather [hbm4b:s1+s3], $0x2800, $0x38;
	[tilespmem:$0x1A800] =	vst v63  }
0x3e: {  	_ =	swait.ge [sflag:s17], $0x2800  }
0x3f: {  	[sflag:s17] =	ssyncset.done $0x0  }
0x40: {  	[sflag:s17] =	ssyncadd.s32 $0xFFFFD800  }
0x41: {  	[spmem:s2] =	stream.indirect.scatter.add.f32 [tilespmem:s18], [sflag:$0x1], $0x80, s3, s19, $0xb8;
	[tilespmem:$0x1A800] =	vst v63  }
0x42: {  	_ = 	snop  }
0x43: {  	[spmem:s2] =	stream.indirect.scatter.add.f32 [tilespmem:s18], [sflag:$0x2], $0x80, s20, s19, $0xb8;
	[tilespmem:$0x1A800] =	vst v63  }
0x44: {  	_ =	swait.ge [sflag:s21], $0x2800  }
0x45: {  	[sflag:s21] =	ssyncset.done $0x0  }
0x46: {  	s30 =	simm.s32 $0x100;
	[sflag:s21] =	ssyncadd.s32 $0xFFFFD800  }
0x47: {  	[spmem:s2] =	stream.indirect.scatter.add.f32 [tilespmem:s18], [sflag:$0x1], $0x80, s30, s19, $0xb8;
	[tilespmem:$0x1A800] =	vst v63  }
0x48: {  	_ =	swait.ge [sflag:s26], $0x2800  }
0x49: {  	[sflag:s26] =	ssyncset.done $0x0  }
0x4a: {  	s31 =	simm.s32 $0x180;
	s30 =	simm.s32 $0xFFFF1000;
	[sflag:s26] =	ssyncadd.s32 $0xFFFFD800  }
.LBB2_2:
0x4b: {  	[spmem:s2] =	stream.indirect.scatter.add.f32 [tilespmem:s18], [sflag:$0x2], $0x80, s31, s19, $0xb8;
	[tilespmem:$0x1A800] =	vst v63  }
0x4c: {  	s31 =	smov.u32 s30  }
0x4d: {  	p1 =	sne.s32 s30, $0xFFFFFC00;
	s30 =	sadd.s32 $0x400, s30;
	_ =	swait.ge [sflag:s21], $0x2800  }
0x4e: {  	s31 =	sshra.s32 s31, $0x2;
	[sflag:s21] =	ssyncset.done $0x0  }
.Ltmp0:
0x4f: {  	s0 =	sadd.s32 $0x3E00, s31;
	[sflag:s21] =	ssyncadd.s32 $0xFFFFD800;
	(pc) =	sbr.rel @p1 .LBB2_2-.Ltmp0, $4  }
0x50: {  	[spmem:s2] =	stream.indirect.scatter.add.f32 [tilespmem:s18], [sflag:$0x1], $0x80, s0, s19, $0xb8;
	[tilespmem:$0x1A800] =	vst v63  }
0x51: {  	_ =	swait.ge [sflag:s26], $0x2800  }
0x52: {  	[sflag:s26] =	ssyncset.done $0x0  }
0x53: {  	s31 =	sadd.s32 $0x3E80, s31;
	[sflag:s26] =	ssyncadd.s32 $0xFFFFD800  }
0x54: {  	[spmem:s2] =	stream.indirect.scatter.add.f32 [tilespmem:s18], [sflag:$0x2], $0x80, s31, s19, $0xb8;
	[tilespmem:$0x1A800] =	vst v63  }
0x55: {  	_ =	swait.ge [sflag:s21], $0x2800  }
0x56: {  	[sflag:s21] =	ssyncset.done $0x0  }
0x57: {  	[sflag:s21] =	ssyncadd.s32 $0xFFFFD800  }
0x58: {  	[spmem:s2] =	stream.indirect.scatter.add.f32 [tilespmem:s18], [sflag:$0x1], $0x80, s28, s19, $0xb8;
	[tilespmem:$0x1A800] =	vst v63  }
0x59: {  	_ =	swait.ge [sflag:s26], $0x2800  }
0x5a: {  	[sflag:s26] =	ssyncset.done $0x0  }
0x5b: {  	[sflag:s26] =	ssyncadd.s32 $0xFFFFD800  }
0x5c: {  	_ =	swait.ge [sflag:s21], $0x2800  }
0x5d: {  	[sflag:s21] =	ssyncset.done $0x0  }
0x5e: {  	[sflag:s21] =	ssyncadd.s32 $0xFFFFD800  }
0x5f: {  	[bflag:$0x0] =	sbarrier.arrive $0xFFFF  }
0x60: {  	[hbm:s22], [sflag:s23] =	dma.local [spmem:s24], $0x2700  }
0x61: {  	_ =	swait.ge [sflag:s17], $0x2700  }
0x62: {  	s29 =	sadd.s32 $0x1, s29;
	[sflag:s17] =	ssyncset.done $0x0  }
0x63: {  	s0 =	sadd.s32 @!p0 $0x27000, s7;
	p1 =	sne.s32 s29, s8;
	[sflag:s17] =	ssyncadd.s32 $0xFFFFD900  }
0x64: {  	[hbm:s0], [sflag:s23] =	dma.local @!p0 [spmem:s25], $0x100  }
.Ltmp1:
0x65: {  	_ = 	snop;
	(pc) =	sbr.rel @p1 .LBB2_1-.Ltmp1, $4  }
0x66: {  	s0 =	simm.s32 @!p0 $0x3  }
0x67: {  	_ =	swait.ge @!p0 [sflag:s0], $0x100  }
0x68: {  	[sflag:s0] =	ssyncset.done @!p0 $0x0  }
0x69: {  	[sflag:s0] =	ssyncadd.s32 @!p0 $0xFFFFFF00  }
0x6a: {  	_ =	sfence.sel $0x180000  }
0x6b: {  	[bflag:$0x0] =	sbarrier.arrive $0xFFFF  }
0x6c: {  	_ =	strace $0x90000047  }
0x6d: {  	[bflag:$0x2] =	sbarrier.arrive $0xFFFF  }
0x6e: {  	p0 =	sne.s32 s4, $0x0;
	s0 =	rddreg [dreg:$0x3]  }
0x6f: {  	s0 =	sadd.s32 @!p0 $0x100000, s0  }
0x70: {  	[sflag:s0] =	ssyncadd.tile.s32 @!p0 $0x1;
	_ =	shalt  }
.Lfunc_end2:
_tile_overlayer_lowered:
.L_overlay_start_2:
0x71: {  	(tag) =	ssettag $0x2  }
0x72: {  	s0 =	rddreg [dreg:$0x0];
	s2 =	stileid.u32  }
0x73: {  	s1 =	rddreg [dreg:$0x1];
	p0 =	sne.s32 s2, $0x0  }
0x74: {  	s3 =	rddreg [dreg:$0x2];
	[bflag:$0x3] =	sbarrier.arrive $0xFFFF;
	s2 =	simm.s32 @!p0 $0x1C03  }
0x75: {  	[timem:s3], [sflag:s2] =	dma.local @!p0 [hbm:s0], s1  }
0x76: {  	s0 =	simm.s32 @!p0 $0x3  }
0x77: {  	_ =	swait.ge @!p0 [sflag:s0], s1  }
0x78: {  	s1 =	ssub.s32 @!p0 $0x0, s1;
	[sflag:s0] =	ssyncset.done @!p0 $0x0  }
0x79: {  	[sflag:s0] =	ssyncadd.s32 @!p0 s1  }
0x7a: {  	[bflag:$0x3] =	sbarrier.arrive $0xFFFF  }
0x7b: {  	_ =	shalt  }

</sc_bundles>
